<compile_context>
chip_gen: v7x
topology: tpu7x:2x2x1
jax: 0.10.2.dev20260603
libtpu: 0.0.44.dev20260713+nightly
codegen_flags: <defaults>
</compile_context>

<pallas_src>
import functools

import jax
import jax.numpy as jnp
from jax import lax
from jax.experimental import pallas as pl
from jax.experimental.pallas import tpu as pltpu
from jax.experimental.pallas import tpu_sc as plsc

N = 10000
E = 320000
G = 64
D = 128
NCLS = 2

NC = 2
NS = 16
NW = NC * NS
EPW = E // NW
C = 80
NCH = EPW // C
NR = 10112
STRIPE = NR // NS
NA = 10240
SA = NA // NS




def _sc_mesh():
    return plsc.VectorSubcoreMesh(
        core_axis_name="c", subcore_axis_name="s",
        num_cores=NC, num_subcores=NS)


@functools.cache
def _deg_kernel_build():
    return functools.partial(
        pl.kernel,
        out_type=jax.ShapeDtypeStruct((NC, NA), jnp.float32),
        mesh=_sc_mesh(),
        scratch_types=[
            pltpu.VMEM((NCH, C), jnp.int32),
            pltpu.VMEM((128,), jnp.float32),
            pltpu.VMEM_SHARED((NA,), jnp.float32),
        ],
    )(_deg_body)


def _deg_body(dst_hbm, ones_hbm, z1_hbm, out_hbm, dst_v, ones_v, acc_sh):
    c = lax.axis_index("c")
    s = lax.axis_index("s")
    w = c * NS + s

    pltpu.sync_copy(z1_hbm.at[pl.ds(s * SA, SA)],
                    acc_sh.at[pl.ds(s * SA, SA)])
    pltpu.sync_copy(ones_hbm, ones_v)
    pltpu.sync_copy(dst_hbm.at[w], dst_v)
    plsc.subcore_barrier()

    @pl.loop(0, NCH)
    def _chunks(j):
        pltpu.sync_copy(ones_v.at[pl.ds(0, C)], acc_sh.at[dst_v.at[j]],
                        add=True)

    plsc.subcore_barrier()
    pltpu.sync_copy(acc_sh.at[pl.ds(s * SA, SA)],
                    out_hbm.at[c, pl.ds(s * SA, SA)])


@functools.cache
def _agg_kernel_build():
    return functools.partial(
        pl.kernel,
        out_type=jax.ShapeDtypeStruct((NC, NR, D), jnp.float32),
        mesh=_sc_mesh(),
        scratch_types=[
            pltpu.VMEM((EPW,), jnp.int32),
            pltpu.VMEM((NCH, C), jnp.int32),
            pltpu.VMEM((C, D), jnp.float32),
            pltpu.VMEM((C, D), jnp.float32),
            pltpu.VMEM_SHARED((NR, D), jnp.float32),
            pltpu.SemaphoreType.DMA,
            pltpu.SemaphoreType.DMA,
        ],
    )(_agg_body)


def _agg_body(g_hbm, src_hbm, dst_hbm, z_hbm, out_hbm,
              src_v, dst_v, rows0, rows1, acc_sh, gs0, gs1):
    c = lax.axis_index("c")
    s = lax.axis_index("s")
    w = c * NS + s

    pltpu.sync_copy(z_hbm.at[pl.ds(s * STRIPE, STRIPE)],
                    acc_sh.at[pl.ds(s * STRIPE, STRIPE)])
    pltpu.sync_copy(src_hbm.at[w], src_v)
    pltpu.sync_copy(dst_hbm.at[w], dst_v)
    plsc.subcore_barrier()

    pltpu.async_copy(g_hbm.at[src_v.at[pl.ds(0, C)]], rows0, gs0)

    @pl.loop(0, NCH // 2)
    def _pair(it):
        j0 = 2 * it
        pltpu.make_async_copy(g_hbm.at[src_v.at[pl.ds(j0 * C, C)]],
                              rows0, gs0).wait()
        pltpu.async_copy(g_hbm.at[src_v.at[pl.ds((j0 + 1) * C, C)]],
                         rows1, gs1)
        pltpu.sync_copy(rows0, acc_sh.at[dst_v.at[j0]], add=True)
        pltpu.make_async_copy(g_hbm.at[src_v.at[pl.ds((j0 + 1) * C, C)]],
                              rows1, gs1).wait()
        pltpu.async_copy(g_hbm.at[src_v.at[pl.ds((j0 + 2) * C, C)]],
                         rows0, gs0)
        pltpu.sync_copy(rows1, acc_sh.at[dst_v.at[j0 + 1]], add=True)

    pltpu.make_async_copy(g_hbm.at[src_v.at[pl.ds((NCH - 1) * C, C)]],
                          rows0, gs0).wait()
    pltpu.sync_copy(rows0, acc_sh.at[dst_v.at[NCH - 1]], add=True)

    plsc.subcore_barrier()
    pltpu.sync_copy(acc_sh.at[pl.ds(s * STRIPE, STRIPE)],
                    out_hbm.at[c, pl.ds(s * STRIPE, STRIPE)])



BR = 1000


def _prep_body(p0, p1, x, w1, dinv_ref, g_ref):
    deg = p0[...] + p1[...] + 1.0
    dinv = lax.rsqrt(deg)
    dinv_ref[...] = dinv
    g_ref[...] = dinv * jnp.dot(x[...], w1[...],
                                preferred_element_type=jnp.float32)


def _prep(p0, p1, x, w1):
    return pl.pallas_call(
        _prep_body,
        grid=(N // BR,),
        in_specs=[
            pl.BlockSpec((BR, 1), lambda i: (i, 0)),
            pl.BlockSpec((BR, 1), lambda i: (i, 0)),
            pl.BlockSpec((BR, D), lambda i: (i, 0)),
            pl.BlockSpec((D, D), lambda i: (0, 0)),
        ],
        out_specs=[
            pl.BlockSpec((BR, 1), lambda i: (i, 0)),
            pl.BlockSpec((BR, D), lambda i: (i, 0)),
        ],
        out_shape=[
            jax.ShapeDtypeStruct((N, 1), jnp.float32),
            jax.ShapeDtypeStruct((N, D), jnp.float32),
        ],
    )(p0, p1, x, w1)


def _layer_body(a0, a1, g, dinv, b, w, gn_ref):
    h = jnp.maximum(dinv[...] * (a0[...] + a1[...] + g[...]) + b[...], 0.0)
    gn_ref[...] = dinv[...] * jnp.dot(h, w[...],
                                      preferred_element_type=jnp.float32)


def _layer(a0, a1, g, dinv, b, w):
    return pl.pallas_call(
        _layer_body,
        grid=(N // BR,),
        in_specs=[
            pl.BlockSpec((BR, D), lambda i: (i, 0)),
            pl.BlockSpec((BR, D), lambda i: (i, 0)),
            pl.BlockSpec((BR, D), lambda i: (i, 0)),
            pl.BlockSpec((BR, 1), lambda i: (i, 0)),
            pl.BlockSpec((1, D), lambda i: (0, 0)),
            pl.BlockSpec((D, D), lambda i: (0, 0)),
        ],
        out_specs=pl.BlockSpec((BR, D), lambda i: (i, 0)),
        out_shape=jax.ShapeDtypeStruct((N, D), jnp.float32),
    )(a0, a1, g, dinv, b, w)


def _head_body(a0, a1, g, dinv, b, batch, wh, bh, out_ref, psum, cnt):
    i = pl.program_id(0)

    @pl.when(i == 0)
    def _():
        psum[...] = jnp.zeros_like(psum)
        cnt[...] = jnp.zeros_like(cnt)

    h = jnp.maximum(dinv[...] * (a0[...] + a1[...] + g[...]) + b[...], 0.0)
    sel = (batch[...] == lax.broadcasted_iota(jnp.int32, (BR, G), 1)
           ).astype(jnp.float32)
    dn = (((0,), (0,)), ((), ()))
    psum[...] += lax.dot_general(sel, h, dn,
                                 preferred_element_type=jnp.float32)
    cnt[...] += lax.dot_general(sel, jnp.ones((BR, 1), jnp.float32), dn,
                                preferred_element_type=jnp.float32)

    @pl.when(i == pl.num_programs(0) - 1)
    def _():
        pooled = psum[...] / jnp.maximum(cnt[...], 1.0)
        out_ref[...] = jnp.dot(pooled, wh[...],
                               preferred_element_type=jnp.float32) + bh[...]


def _head(a0, a1, g, dinv, b, batch, wh, bh):
    return pl.pallas_call(
        _head_body,
        grid=(N // BR,),
        in_specs=[
            pl.BlockSpec((BR, D), lambda i: (i, 0)),
            pl.BlockSpec((BR, D), lambda i: (i, 0)),
            pl.BlockSpec((BR, D), lambda i: (i, 0)),
            pl.BlockSpec((BR, 1), lambda i: (i, 0)),
            pl.BlockSpec((1, D), lambda i: (0, 0)),
            pl.BlockSpec((BR, 1), lambda i: (i, 0)),
            pl.BlockSpec((D, NCLS), lambda i: (0, 0)),
            pl.BlockSpec((1, NCLS), lambda i: (0, 0)),
        ],
        out_specs=pl.BlockSpec((G, NCLS), lambda i: (0, 0)),
        out_shape=jax.ShapeDtypeStruct((G, NCLS), jnp.float32),
        scratch_shapes=[
            pltpu.VMEM((G, D), jnp.float32),
            pltpu.VMEM((G, 1), jnp.float32),
        ],
    )(a0, a1, g, dinv, b, batch, wh, bh)



def kernel(x, edge_index, batch, W1, b1, W2, b2, W3, b3, Wh, bh):
    src2 = edge_index[0].astype(jnp.int32).reshape(NW, EPW)
    dst3 = edge_index[1].astype(jnp.int32).reshape(NW, NCH, C)

    ones128 = jnp.ones((128,), jnp.float32)
    zrow = jnp.zeros((NR, D), jnp.float32)
    z1 = jnp.zeros((NA,), jnp.float32)

    degp = _deg_kernel_build()(dst3, ones128, z1)
    p0 = degp[0, :N].reshape(N, 1)
    p1 = degp[1, :N].reshape(N, 1)

    dinv, g1 = _prep(p0, p1, x, W1)
    agg = _agg_kernel_build()

    acc = agg(g1, src2, dst3, zrow)
    g2 = _layer(acc[0], acc[1], g1, dinv, b1.reshape(1, D), W2)
    acc = agg(g2, src2, dst3, zrow)
    g3 = _layer(acc[0], acc[1], g2, dinv, b2.reshape(1, D), W3)
    acc = agg(g3, src2, dst3, zrow)

    return _head(acc[0], acc[1], g3, dinv, b3.reshape(1, D),
                 batch.astype(jnp.int32).reshape(N, 1),
                 Wh, bh.reshape(1, NCLS))

# --- scband reference (transcript-rebuilt; emitter-appended) ---
"""Pipeline reference for scband-jet-gcn-67808943669846 (READ-ONLY COPY).

The authoritative reference and input builder live on the scoring server;
editing this copy changes nothing except your own understanding.
"""

import jax, jax.numpy as jnp
import numpy as np

N_NODES = 10000
N_EDGES = 320000
N_GRAPHS = 64
D_IN = 128
HIDDEN = 128
N_CLASSES = 2


def gcn_conv(x, src, dst, W, b, n):
    # PyG GCNConv: add self-loops, symmetric normalization, linear, scatter-add, bias
    sl = jnp.arange(n, dtype=src.dtype)
    src_sl = jnp.concatenate([src, sl])
    dst_sl = jnp.concatenate([dst, sl])
    deg = jnp.zeros((n,), dtype=x.dtype).at[dst_sl].add(1.0)
    dinv = jnp.where(deg > 0, deg ** -0.5, 0.0)
    norm = dinv[src_sl] * dinv[dst_sl]
    h = x @ W
    msg = h[src_sl] * norm[:, None]
    out = jax.ops.segment_sum(msg, dst_sl, num_segments=n)
    return out + b


def setup_inputs(seed: int = 0):
    key = jax.random.key(seed)
    ks = jax.random.split(key, 12)
    x = jax.random.normal(ks[0], (N_NODES, D_IN), dtype=jnp.float32)
    edge_index = jax.random.randint(ks[1], (2, N_EDGES), 0, N_NODES)
    batch = jnp.sort(jax.random.randint(ks[2], (N_NODES,), 0, N_GRAPHS))
    s = 0.05
    W1 = jax.random.normal(ks[3], (D_IN, HIDDEN), dtype=jnp.float32) * s
    b1 = jnp.zeros((HIDDEN,), dtype=jnp.float32)
    W2 = jax.random.normal(ks[4], (HIDDEN, HIDDEN), dtype=jnp.float32) * s
    b2 = jnp.zeros((HIDDEN,), dtype=jnp.float32)
    W3 = jax.random.normal(ks[5], (HIDDEN, HIDDEN), dtype=jnp.float32) * s
    b3 = jnp.zeros((HIDDEN,), dtype=jnp.float32)
    Wh = jax.random.normal(ks[6], (HIDDEN, N_CLASSES), dtype=jnp.float32) * s
    bh = jnp.zeros((N_CLASSES,), dtype=jnp.float32)
    return {"x": x, "edge_index": edge_index, "batch": batch,
            "W1": W1, "b1": b1, "W2": W2, "b2": b2, "W3": W3, "b3": b3,
            "Wh": Wh, "bh": bh}


def reference(x, edge_index, batch, W1, b1, W2, b2, W3, b3, Wh, bh):
    src, dst = edge_index[0], edge_index[1]
    h = jax.nn.relu(gcn_conv(x, src, dst, W1, b1, N_NODES))
    h = jax.nn.relu(gcn_conv(h, src, dst, W2, b2, N_NODES))
    h = jax.nn.relu(gcn_conv(h, src, dst, W3, b3, N_NODES))
    # global_mean_pool over batch ids
    summed = jax.ops.segment_sum(h, batch, num_segments=N_GRAPHS)
    counts = jax.ops.segment_sum(jnp.ones((N_NODES,), dtype=h.dtype), batch, num_segments=N_GRAPHS)
    pooled = summed / jnp.maximum(counts, 1.0)[:, None]
    # dropout p=0.3 is identity in eval mode
    return pooled @ Wh + bh

if __name__ == "__main__":
    import jax
    _d = setup_inputs()
    print(jax.jit(kernel)(*tuple(_d.values())))

</pallas_src>

<mosaic_0001>
#map = affine_map<(d0, d1) -> (0, 0, 0)>
#map1 = affine_map<(d0, d1) -> (0)>
#map2 = affine_map<(d0, d1) -> (0, 0)>
module attributes {stable_mosaic.version = 14 : i64} {
  func.func @_deg_body(%arg0: i32, %arg1: i32, %arg2: memref<32x125x80xi32, #tpu.memory_space<hbm>>, %arg3: memref<128xf32, #tpu.memory_space<hbm>>, %arg4: memref<10240xf32, #tpu.memory_space<hbm>>, %arg5: memref<2x10240xf32, #tpu.memory_space<hbm>>, %arg6: memref<125x80xi32, #tpu.memory_space<vmem>>, %arg7: memref<128xf32, #tpu.memory_space<vmem>>, %arg8: memref<10240xf32, #tpu.memory_space<vmem_shared>>) attributes {dimension_semantics = [#tpu.dimension_semantics<core_parallel>, #tpu.dimension_semantics<subcore_parallel>], iteration_bounds = array<i64: 2, 16>, scalar_prefetch = 0 : i64, scratch_operands = 3 : i64, tpu.core_type = #tpu.core_type<sc_vector_subcore>, window_params = [{transform_indices = #map}, {transform_indices = #map1}, {transform_indices = #map1}, {transform_indices = #map2}]} {
    %mul3A = arith.constant 16 : i32
    %mul3A_0 = arith.muli %arg0, %mul3A : i32
    %add3A = arith.addi %mul3A_0, %arg1 : i32
    %mul3A_1 = arith.constant 640 : i32
    %mul3A_2 = arith.muli %arg1, %mul3A_1 : i32
    %mul3A_3 = arith.constant 640 : i32
    %mul3A_4 = arith.muli %arg1, %mul3A_3 : i32
    "tpu.region"() ({
      %run_scoped3A = tpu.sem_alloc : memref<!tpu.dma_semaphore, #tpu.memory_space<semaphore_mem>>
      %dma_start3A = tpu.memref_slice %arg8[%mul3A_4] : memref<10240xf32, #tpu.memory_space<vmem_shared>> -> memref<640xf32, #tpu.memory_space<vmem_shared>>
      %dma_start3A_14 = tpu.memref_slice %arg4[%mul3A_2] : memref<10240xf32, #tpu.memory_space<hbm>> -> memref<640xf32, #tpu.memory_space<hbm>>
      tpu.enqueue_dma source(%dma_start3A_14 : memref<640xf32, #tpu.memory_space<hbm>>) target(%dma_start3A : memref<640xf32, #tpu.memory_space<vmem_shared>>) target_semaphore(%run_scoped3A : memref<!tpu.dma_semaphore, #tpu.memory_space<semaphore_mem>>)
      %dma_wait3A = tpu.memref_slice %arg8[%mul3A_4] : memref<10240xf32, #tpu.memory_space<vmem_shared>> -> memref<640xf32, #tpu.memory_space<vmem_shared>>
      %dma_wait3A_15 = tpu.memref_slice %arg4[%mul3A_2] : memref<10240xf32, #tpu.memory_space<hbm>> -> memref<640xf32, #tpu.memory_space<hbm>>
      tpu.wait_dma2 semaphore(%run_scoped3A : memref<!tpu.dma_semaphore, #tpu.memory_space<semaphore_mem>>) src(%dma_wait3A_15 : memref<640xf32, #tpu.memory_space<hbm>>) dst(%dma_wait3A : memref<640xf32, #tpu.memory_space<vmem_shared>>)
      tpu.yield
    }) : () -> ()
    "tpu.region"() ({
      %run_scoped3A = tpu.sem_alloc : memref<!tpu.dma_semaphore, #tpu.memory_space<semaphore_mem>>
      tpu.enqueue_dma source(%arg3 : memref<128xf32, #tpu.memory_space<hbm>>) target(%arg7 : memref<128xf32, #tpu.memory_space<vmem>>) target_semaphore(%run_scoped3A : memref<!tpu.dma_semaphore, #tpu.memory_space<semaphore_mem>>)
      tpu.wait_dma2 semaphore(%run_scoped3A : memref<!tpu.dma_semaphore, #tpu.memory_space<semaphore_mem>>) src(%arg3 : memref<128xf32, #tpu.memory_space<hbm>>) dst(%arg7 : memref<128xf32, #tpu.memory_space<vmem>>)
      tpu.yield
    }) : () -> ()
    "tpu.region"() ({
      %run_scoped3A = tpu.sem_alloc : memref<!tpu.dma_semaphore, #tpu.memory_space<semaphore_mem>>
      %dma_start3A = arith.constant 0 : i32
      %dma_start3A_14 = arith.constant 0 : i32
      %dma_start3A_15 = tpu.memref_slice %arg2[%add3A, %dma_start3A, %dma_start3A_14] : memref<32x125x80xi32, #tpu.memory_space<hbm>> -> memref<1x125x80xi32, #tpu.memory_space<hbm>>
      %dma_start3A_16 = tpu.memref_squeeze %dma_start3A_15 : memref<1x125x80xi32, #tpu.memory_space<hbm>> -> memref<125x80xi32, #tpu.memory_space<hbm>>
      %dma_start3A_17 = arith.constant 0 : i32
      %dma_start3A_18 = arith.constant 0 : i32
      %dma_start3A_19 = tpu.memref_slice %arg2[%add3A, %dma_start3A_17, %dma_start3A_18] : memref<32x125x80xi32, #tpu.memory_space<hbm>> -> memref<1x125x80xi32, #tpu.memory_space<hbm>>
      %dma_start3A_20 = tpu.memref_squeeze %dma_start3A_19 : memref<1x125x80xi32, #tpu.memory_space<hbm>> -> memref<125x80xi32, #tpu.memory_space<hbm>>
      tpu.enqueue_dma source(%dma_start3A_20 : memref<125x80xi32, #tpu.memory_space<hbm>>) target(%arg6 : memref<125x80xi32, #tpu.memory_space<vmem>>) target_semaphore(%run_scoped3A : memref<!tpu.dma_semaphore, #tpu.memory_space<semaphore_mem>>)
      %dma_wait3A = arith.constant 0 : i32
      %dma_wait3A_21 = arith.constant 0 : i32
      %dma_wait3A_22 = tpu.memref_slice %arg2[%add3A, %dma_wait3A, %dma_wait3A_21] : memref<32x125x80xi32, #tpu.memory_space<hbm>> -> memref<1x125x80xi32, #tpu.memory_space<hbm>>
      %dma_wait3A_23 = tpu.memref_squeeze %dma_wait3A_22 : memref<1x125x80xi32, #tpu.memory_space<hbm>> -> memref<125x80xi32, #tpu.memory_space<hbm>>
      %dma_wait3A_24 = arith.constant 0 : i32
      %dma_wait3A_25 = arith.constant 0 : i32
      %dma_wait3A_26 = tpu.memref_slice %arg2[%add3A, %dma_wait3A_24, %dma_wait3A_25] : memref<32x125x80xi32, #tpu.memory_space<hbm>> -> memref<1x125x80xi32, #tpu.memory_space<hbm>>
      %dma_wait3A_27 = tpu.memref_squeeze %dma_wait3A_26 : memref<1x125x80xi32, #tpu.memory_space<hbm>> -> memref<125x80xi32, #tpu.memory_space<hbm>>
      tpu.wait_dma2 semaphore(%run_scoped3A : memref<!tpu.dma_semaphore, #tpu.memory_space<semaphore_mem>>) src(%dma_wait3A_27 : memref<125x80xi32, #tpu.memory_space<hbm>>) dst(%arg6 : memref<125x80xi32, #tpu.memory_space<vmem>>)
      tpu.yield
    }) : () -> ()
    %barrier3A = arith.constant 0 : index
    tpu.barrier barrier_id(%barrier3A)
    %scan3A = arith.constant 0 : i32
    %scan3A_5 = arith.constant 125 : i32
    %scan3A_6 = arith.addi %scan3A, %scan3A_5 : i32
    %scan3A_7 = arith.constant 1 : i32
    scf.for %scan3A_14 = %scan3A to %scan3A_6 step %scan3A_7  : i32 {
      %mul3A_15 = arith.constant 1 : i32
      %mul3A_16 = arith.muli %scan3A_14, %mul3A_15 : i32
      %add3A_17 = arith.constant 0 : i32
      %add3A_18 = arith.addi %add3A_17, %mul3A_16 : i32
      "tpu.region"() ({
        %run_scoped3A = tpu.sem_alloc : memref<!tpu.dma_semaphore, #tpu.memory_space<semaphore_mem>>
        %dma_start3A = arith.constant 0 : i32
        %dma_start3A_19 = tpu.memref_slice %arg7[%dma_start3A] : memref<128xf32, #tpu.memory_space<vmem>> -> memref<80xf32, #tpu.memory_space<vmem>>
        %dma_start3A_20 = arith.constant 0 : i32
        %dma_start3A_21 = tpu.memref_slice %arg6[%add3A_18, %dma_start3A_20] : memref<125x80xi32, #tpu.memory_space<vmem>> -> memref<1x80xi32, #tpu.memory_space<vmem>>
        %dma_start3A_22 = tpu.memref_squeeze %dma_start3A_21 : memref<1x80xi32, #tpu.memory_space<vmem>> -> memref<80xi32, #tpu.memory_space<vmem>>
        %dma_start3A_23 = arith.constant 0 : i32
        %dma_start3A_24 = tpu.memref_slice %arg8[%dma_start3A_23] : memref<10240xf32, #tpu.memory_space<vmem_shared>> -> memref<10240xf32, #tpu.memory_space<vmem_shared>>
        tpu.enqueue_indirect_dma source(%dma_start3A_19 : memref<80xf32, #tpu.memory_space<vmem>>) target(%dma_start3A_24 : memref<10240xf32, #tpu.memory_space<vmem_shared>>) offsets(%dma_start3A_22 : memref<80xi32, #tpu.memory_space<vmem>>) semaphore(%run_scoped3A : memref<!tpu.dma_semaphore, #tpu.memory_space<semaphore_mem>>) {add = true}
        %dma_wait3A = arith.constant 0 : i32
        %dma_wait3A_25 = tpu.memref_slice %arg7[%dma_wait3A] : memref<128xf32, #tpu.memory_space<vmem>> -> memref<80xf32, #tpu.memory_space<vmem>>
        %dma_wait3A_26 = arith.constant 0 : i32
        %dma_wait3A_27 = tpu.memref_slice %arg6[%add3A_18, %dma_wait3A_26] : memref<125x80xi32, #tpu.memory_space<vmem>> -> memref<1x80xi32, #tpu.memory_space<vmem>>
        %dma_wait3A_28 = tpu.memref_squeeze %dma_wait3A_27 : memref<1x80xi32, #tpu.memory_space<vmem>> -> memref<80xi32, #tpu.memory_space<vmem>>
        %dma_wait3A_29 = arith.constant 0 : i32
        %dma_wait3A_30 = tpu.memref_slice %arg8[%dma_wait3A_29] : memref<10240xf32, #tpu.memory_space<vmem_shared>> -> memref<10240xf32, #tpu.memory_space<vmem_shared>>
        tpu.wait_indirect_dma semaphore(%run_scoped3A : memref<!tpu.dma_semaphore, #tpu.memory_space<semaphore_mem>>) src(%dma_wait3A_25 : memref<80xf32, #tpu.memory_space<vmem>>) dst(%dma_wait3A_30 : memref<10240xf32, #tpu.memory_space<vmem_shared>>)
        tpu.yield
      }) : () -> ()
    }
    %scan3A_8 = arith.constant 125 : i32
    %barrier3A_9 = arith.constant 0 : index
    tpu.barrier barrier_id(%barrier3A_9)
    %mul3A_10 = arith.constant 640 : i32
    %mul3A_11 = arith.muli %arg1, %mul3A_10 : i32
    %mul3A_12 = arith.constant 640 : i32
    %mul3A_13 = arith.muli %arg1, %mul3A_12 : i32
    "tpu.region"() ({
      %run_scoped3A = tpu.sem_alloc : memref<!tpu.dma_semaphore, #tpu.memory_space<semaphore_mem>>
      %dma_start3A = tpu.memref_slice %arg5[%arg0, %mul3A_13] : memref<2x10240xf32, #tpu.memory_space<hbm>> -> memref<1x640xf32, #tpu.memory_space<hbm>>
      %dma_start3A_14 = tpu.memref_squeeze %dma_start3A : memref<1x640xf32, #tpu.memory_space<hbm>> -> memref<640xf32, #tpu.memory_space<hbm>>
      %dma_start3A_15 = tpu.memref_slice %arg8[%mul3A_11] : memref<10240xf32, #tpu.memory_space<vmem_shared>> -> memref<640xf32, #tpu.memory_space<vmem_shared>>
      tpu.enqueue_dma source(%dma_start3A_15 : memref<640xf32, #tpu.memory_space<vmem_shared>>) target(%dma_start3A_14 : memref<640xf32, #tpu.memory_space<hbm>>) target_semaphore(%run_scoped3A : memref<!tpu.dma_semaphore, #tpu.memory_space<semaphore_mem>>)
      %dma_wait3A = tpu.memref_slice %arg5[%arg0, %mul3A_13] : memref<2x10240xf32, #tpu.memory_space<hbm>> -> memref<1x640xf32, #tpu.memory_space<hbm>>
      %dma_wait3A_16 = tpu.memref_squeeze %dma_wait3A : memref<1x640xf32, #tpu.memory_space<hbm>> -> memref<640xf32, #tpu.memory_space<hbm>>
      %dma_wait3A_17 = tpu.memref_slice %arg8[%mul3A_11] : memref<10240xf32, #tpu.memory_space<vmem_shared>> -> memref<640xf32, #tpu.memory_space<vmem_shared>>
      tpu.wait_dma2 semaphore(%run_scoped3A : memref<!tpu.dma_semaphore, #tpu.memory_space<semaphore_mem>>) src(%dma_wait3A_17 : memref<640xf32, #tpu.memory_space<vmem_shared>>) dst(%dma_wait3A_16 : memref<640xf32, #tpu.memory_space<hbm>>)
      tpu.yield
    }) : () -> ()
    return
  }
}

#map = affine_map<(d0, d1) -> (0, 0)>
#map1 = affine_map<(d0, d1) -> (0, 0, 0)>
module attributes {stable_mosaic.version = 14 : i64} {
  func.func @_agg_body(%arg0: i32, %arg1: i32, %arg2: memref<10000x128xf32, #tpu.memory_space<hbm>>, %arg3: memref<32x10000xi32, #tpu.memory_space<hbm>>, %arg4: memref<32x125x80xi32, #tpu.memory_space<hbm>>, %arg5: memref<10112x128xf32, #tpu.memory_space<hbm>>, %arg6: memref<2x10112x128xf32, #tpu.memory_space<hbm>>, %arg7: memref<10000xi32, #tpu.memory_space<vmem>>, %arg8: memref<125x80xi32, #tpu.memory_space<vmem>>, %arg9: memref<80x128xf32, #tpu.memory_space<vmem>>, %arg10: memref<80x128xf32, #tpu.memory_space<vmem>>, %arg11: memref<10112x128xf32, #tpu.memory_space<vmem_shared>>, %arg12: memref<!tpu.dma_semaphore, #tpu.memory_space<semaphore_mem>>, %arg13: memref<!tpu.dma_semaphore, #tpu.memory_space<semaphore_mem>>) attributes {dimension_semantics = [#tpu.dimension_semantics<core_parallel>, #tpu.dimension_semantics<subcore_parallel>], iteration_bounds = array<i64: 2, 16>, scalar_prefetch = 0 : i64, scratch_operands = 7 : i64, tpu.core_type = #tpu.core_type<sc_vector_subcore>, window_params = [{transform_indices = #map}, {transform_indices = #map}, {transform_indices = #map1}, {transform_indices = #map}, {transform_indices = #map1}]} {
    %mul3A = arith.constant 16 : i32
    %mul3A_0 = arith.muli %arg0, %mul3A : i32
    %add3A = arith.addi %mul3A_0, %arg1 : i32
    %mul3A_1 = arith.constant 632 : i32
    %mul3A_2 = arith.muli %arg1, %mul3A_1 : i32
    %mul3A_3 = arith.constant 632 : i32
    %mul3A_4 = arith.muli %arg1, %mul3A_3 : i32
    "tpu.region"() ({
      %run_scoped3A_22 = tpu.sem_alloc : memref<!tpu.dma_semaphore, #tpu.memory_space<semaphore_mem>>
      %dma_start3A_23 = arith.constant 0 : i32
      %dma_start3A_24 = tpu.memref_slice %arg11[%mul3A_4, %dma_start3A_23] : memref<10112x128xf32, #tpu.memory_space<vmem_shared>> -> memref<632x128xf32, #tpu.memory_space<vmem_shared>>
      %dma_start3A_25 = arith.constant 0 : i32
      %dma_start3A_26 = tpu.memref_slice %arg5[%mul3A_2, %dma_start3A_25] : memref<10112x128xf32, #tpu.memory_space<hbm>> -> memref<632x128xf32, #tpu.memory_space<hbm>>
      tpu.enqueue_dma source(%dma_start3A_26 : memref<632x128xf32, #tpu.memory_space<hbm>>) target(%dma_start3A_24 : memref<632x128xf32, #tpu.memory_space<vmem_shared>>) target_semaphore(%run_scoped3A_22 : memref<!tpu.dma_semaphore, #tpu.memory_space<semaphore_mem>>)
      %dma_wait3A_27 = arith.constant 0 : i32
      %dma_wait3A_28 = tpu.memref_slice %arg11[%mul3A_4, %dma_wait3A_27] : memref<10112x128xf32, #tpu.memory_space<vmem_shared>> -> memref<632x128xf32, #tpu.memory_space<vmem_shared>>
      %dma_wait3A_29 = arith.constant 0 : i32
      %dma_wait3A_30 = tpu.memref_slice %arg5[%mul3A_2, %dma_wait3A_29] : memref<10112x128xf32, #tpu.memory_space<hbm>> -> memref<632x128xf32, #tpu.memory_space<hbm>>
      tpu.wait_dma2 semaphore(%run_scoped3A_22 : memref<!tpu.dma_semaphore, #tpu.memory_space<semaphore_mem>>) src(%dma_wait3A_30 : memref<632x128xf32, #tpu.memory_space<hbm>>) dst(%dma_wait3A_28 : memref<632x128xf32, #tpu.memory_space<vmem_shared>>)
      tpu.yield
    }) : () -> ()
    "tpu.region"() ({
      %run_scoped3A_22 = tpu.sem_alloc : memref<!tpu.dma_semaphore, #tpu.memory_space<semaphore_mem>>
      %dma_start3A_23 = arith.constant 0 : i32
      %dma_start3A_24 = tpu.memref_slice %arg3[%add3A, %dma_start3A_23] : memref<32x10000xi32, #tpu.memory_space<hbm>> -> memref<1x10000xi32, #tpu.memory_space<hbm>>
      %dma_start3A_25 = tpu.memref_squeeze %dma_start3A_24 : memref<1x10000xi32, #tpu.memory_space<hbm>> -> memref<10000xi32, #tpu.memory_space<hbm>>
      %dma_start3A_26 = arith.constant 0 : i32
      %dma_start3A_27 = tpu.memref_slice %arg3[%add3A, %dma_start3A_26] : memref<32x10000xi32, #tpu.memory_space<hbm>> -> memref<1x10000xi32, #tpu.memory_space<hbm>>
      %dma_start3A_28 = tpu.memref_squeeze %dma_start3A_27 : memref<1x10000xi32, #tpu.memory_space<hbm>> -> memref<10000xi32, #tpu.memory_space<hbm>>
      tpu.enqueue_dma source(%dma_start3A_28 : memref<10000xi32, #tpu.memory_space<hbm>>) target(%arg7 : memref<10000xi32, #tpu.memory_space<vmem>>) target_semaphore(%run_scoped3A_22 : memref<!tpu.dma_semaphore, #tpu.memory_space<semaphore_mem>>)
      %dma_wait3A_29 = arith.constant 0 : i32
      %dma_wait3A_30 = tpu.memref_slice %arg3[%add3A, %dma_wait3A_29] : memref<32x10000xi32, #tpu.memory_space<hbm>> -> memref<1x10000xi32, #tpu.memory_space<hbm>>
      %dma_wait3A_31 = tpu.memref_squeeze %dma_wait3A_30 : memref<1x10000xi32, #tpu.memory_space<hbm>> -> memref<10000xi32, #tpu.memory_space<hbm>>
      %dma_wait3A_32 = arith.constant 0 : i32
      %dma_wait3A_33 = tpu.memref_slice %arg3[%add3A, %dma_wait3A_32] : memref<32x10000xi32, #tpu.memory_space<hbm>> -> memref<1x10000xi32, #tpu.memory_space<hbm>>
      %dma_wait3A_34 = tpu.memref_squeeze %dma_wait3A_33 : memref<1x10000xi32, #tpu.memory_space<hbm>> -> memref<10000xi32, #tpu.memory_space<hbm>>
      tpu.wait_dma2 semaphore(%run_scoped3A_22 : memref<!tpu.dma_semaphore, #tpu.memory_space<semaphore_mem>>) src(%dma_wait3A_34 : memref<10000xi32, #tpu.memory_space<hbm>>) dst(%arg7 : memref<10000xi32, #tpu.memory_space<vmem>>)
      tpu.yield
    }) : () -> ()
    "tpu.region"() ({
      %run_scoped3A_22 = tpu.sem_alloc : memref<!tpu.dma_semaphore, #tpu.memory_space<semaphore_mem>>
      %dma_start3A_23 = arith.constant 0 : i32
      %dma_start3A_24 = arith.constant 0 : i32
      %dma_start3A_25 = tpu.memref_slice %arg4[%add3A, %dma_start3A_23, %dma_start3A_24] : memref<32x125x80xi32, #tpu.memory_space<hbm>> -> memref<1x125x80xi32, #tpu.memory_space<hbm>>
      %dma_start3A_26 = tpu.memref_squeeze %dma_start3A_25 : memref<1x125x80xi32, #tpu.memory_space<hbm>> -> memref<125x80xi32, #tpu.memory_space<hbm>>
      %dma_start3A_27 = arith.constant 0 : i32
      %dma_start3A_28 = arith.constant 0 : i32
      %dma_start3A_29 = tpu.memref_slice %arg4[%add3A, %dma_start3A_27, %dma_start3A_28] : memref<32x125x80xi32, #tpu.memory_space<hbm>> -> memref<1x125x80xi32, #tpu.memory_space<hbm>>
      %dma_start3A_30 = tpu.memref_squeeze %dma_start3A_29 : memref<1x125x80xi32, #tpu.memory_space<hbm>> -> memref<125x80xi32, #tpu.memory_space<hbm>>
      tpu.enqueue_dma source(%dma_start3A_30 : memref<125x80xi32, #tpu.memory_space<hbm>>) target(%arg8 : memref<125x80xi32, #tpu.memory_space<vmem>>) target_semaphore(%run_scoped3A_22 : memref<!tpu.dma_semaphore, #tpu.memory_space<semaphore_mem>>)
      %dma_wait3A_31 = arith.constant 0 : i32
      %dma_wait3A_32 = arith.constant 0 : i32
      %dma_wait3A_33 = tpu.memref_slice %arg4[%add3A, %dma_wait3A_31, %dma_wait3A_32] : memref<32x125x80xi32, #tpu.memory_space<hbm>> -> memref<1x125x80xi32, #tpu.memory_space<hbm>>
      %dma_wait3A_34 = tpu.memref_squeeze %dma_wait3A_33 : memref<1x125x80xi32, #tpu.memory_space<hbm>> -> memref<125x80xi32, #tpu.memory_space<hbm>>
      %dma_wait3A_35 = arith.constant 0 : i32
      %dma_wait3A_36 = arith.constant 0 : i32
      %dma_wait3A_37 = tpu.memref_slice %arg4[%add3A, %dma_wait3A_35, %dma_wait3A_36] : memref<32x125x80xi32, #tpu.memory_space<hbm>> -> memref<1x125x80xi32, #tpu.memory_space<hbm>>
      %dma_wait3A_38 = tpu.memref_squeeze %dma_wait3A_37 : memref<1x125x80xi32, #tpu.memory_space<hbm>> -> memref<125x80xi32, #tpu.memory_space<hbm>>
      tpu.wait_dma2 semaphore(%run_scoped3A_22 : memref<!tpu.dma_semaphore, #tpu.memory_space<semaphore_mem>>) src(%dma_wait3A_38 : memref<125x80xi32, #tpu.memory_space<hbm>>) dst(%arg8 : memref<125x80xi32, #tpu.memory_space<vmem>>)
      tpu.yield
    }) : () -> ()
    %barrier3A = arith.constant 0 : index
    tpu.barrier barrier_id(%barrier3A)
    %dma_start3A = arith.constant 0 : i32
    %dma_start3A_5 = tpu.memref_slice %arg7[%dma_start3A] : memref<10000xi32, #tpu.memory_space<vmem>> -> memref<80xi32, #tpu.memory_space<vmem>>
    %dma_start3A_6 = arith.constant 0 : i32
    %dma_start3A_7 = arith.constant 0 : i32
    %dma_start3A_8 = tpu.memref_slice %arg2[%dma_start3A_6, %dma_start3A_7] : memref<10000x128xf32, #tpu.memory_space<hbm>> -> memref<10000x128xf32, #tpu.memory_space<hbm>>
    tpu.enqueue_indirect_dma source(%dma_start3A_8 : memref<10000x128xf32, #tpu.memory_space<hbm>>) target(%arg9 : memref<80x128xf32, #tpu.memory_space<vmem>>) offsets(%dma_start3A_5 : memref<80xi32, #tpu.memory_space<vmem>>) semaphore(%arg12 : memref<!tpu.dma_semaphore, #tpu.memory_space<semaphore_mem>>)
    %scan3A = arith.constant 0 : i32
    %scan3A_9 = arith.constant 62 : i32
    %scan3A_10 = arith.addi %scan3A, %scan3A_9 : i32
    %scan3A_11 = arith.constant 1 : i32
    scf.for %scan3A_22 = %scan3A to %scan3A_10 step %scan3A_11  : i32 {
      %mul3A_23 = arith.constant 1 : i32
      %mul3A_24 = arith.muli %scan3A_22, %mul3A_23 : i32
      %add3A_25 = arith.constant 0 : i32
      %add3A_26 = arith.addi %add3A_25, %mul3A_24 : i32
      %mul3A_27 = arith.constant 2 : i32
      %mul3A_28 = arith.muli %mul3A_27, %add3A_26 : i32
      %mul3A_29 = arith.constant 80 : i32
      %mul3A_30 = arith.muli %mul3A_28, %mul3A_29 : i32
      %dma_wait3A_31 = tpu.memref_slice %arg7[%mul3A_30] : memref<10000xi32, #tpu.memory_space<vmem>> -> memref<80xi32, #tpu.memory_space<vmem>>
      %dma_wait3A_32 = arith.constant 0 : i32
      %dma_wait3A_33 = arith.constant 0 : i32
      %dma_wait3A_34 = tpu.memref_slice %arg2[%dma_wait3A_32, %dma_wait3A_33] : memref<10000x128xf32, #tpu.memory_space<hbm>> -> memref<10000x128xf32, #tpu.memory_space<hbm>>
      tpu.wait_indirect_dma semaphore(%arg12 : memref<!tpu.dma_semaphore, #tpu.memory_space<semaphore_mem>>) src(%dma_wait3A_34 : memref<10000x128xf32, #tpu.memory_space<hbm>>) dst(%arg9 : memref<80x128xf32, #tpu.memory_space<vmem>>)
      %add3A_35 = arith.constant 1 : i32
      %add3A_36 = arith.addi %mul3A_28, %add3A_35 : i32
      %mul3A_37 = arith.constant 80 : i32
      %mul3A_38 = arith.muli %add3A_36, %mul3A_37 : i32
      %dma_start3A_39 = tpu.memref_slice %arg7[%mul3A_38] : memref<10000xi32, #tpu.memory_space<vmem>> -> memref<80xi32, #tpu.memory_space<vmem>>
      %dma_start3A_40 = arith.constant 0 : i32
      %dma_start3A_41 = arith.constant 0 : i32
      %dma_start3A_42 = tpu.memref_slice %arg2[%dma_start3A_40, %dma_start3A_41] : memref<10000x128xf32, #tpu.memory_space<hbm>> -> memref<10000x128xf32, #tpu.memory_space<hbm>>
      tpu.enqueue_indirect_dma source(%dma_start3A_42 : memref<10000x128xf32, #tpu.memory_space<hbm>>) target(%arg10 : memref<80x128xf32, #tpu.memory_space<vmem>>) offsets(%dma_start3A_39 : memref<80xi32, #tpu.memory_space<vmem>>) semaphore(%arg13 : memref<!tpu.dma_semaphore, #tpu.memory_space<semaphore_mem>>)
      "tpu.region"() ({
        %run_scoped3A_61 = tpu.sem_alloc : memref<!tpu.dma_semaphore, #tpu.memory_space<semaphore_mem>>
        %dma_start3A_62 = arith.constant 0 : i32
        %dma_start3A_63 = tpu.memref_slice %arg8[%mul3A_28, %dma_start3A_62] : memref<125x80xi32, #tpu.memory_space<vmem>> -> memref<1x80xi32, #tpu.memory_space<vmem>>
        %dma_start3A_64 = tpu.memref_squeeze %dma_start3A_63 : memref<1x80xi32, #tpu.memory_space<vmem>> -> memref<80xi32, #tpu.memory_space<vmem>>
        %dma_start3A_65 = arith.constant 0 : i32
        %dma_start3A_66 = arith.constant 0 : i32
        %dma_start3A_67 = tpu.memref_slice %arg11[%dma_start3A_65, %dma_start3A_66] : memref<10112x128xf32, #tpu.memory_space<vmem_shared>> -> memref<10112x128xf32, #tpu.memory_space<vmem_shared>>
        tpu.enqueue_indirect_dma source(%arg9 : memref<80x128xf32, #tpu.memory_space<vmem>>) target(%dma_start3A_67 : memref<10112x128xf32, #tpu.memory_space<vmem_shared>>) offsets(%dma_start3A_64 : memref<80xi32, #tpu.memory_space<vmem>>) semaphore(%run_scoped3A_61 : memref<!tpu.dma_semaphore, #tpu.memory_space<semaphore_mem>>) {add = true}
        %dma_wait3A_68 = arith.constant 0 : i32
        %dma_wait3A_69 = tpu.memref_slice %arg8[%mul3A_28, %dma_wait3A_68] : memref<125x80xi32, #tpu.memory_space<vmem>> -> memref<1x80xi32, #tpu.memory_space<vmem>>
        %dma_wait3A_70 = tpu.memref_squeeze %dma_wait3A_69 : memref<1x80xi32, #tpu.memory_space<vmem>> -> memref<80xi32, #tpu.memory_space<vmem>>
        %dma_wait3A_71 = arith.constant 0 : i32
        %dma_wait3A_72 = arith.constant 0 : i32
        %dma_wait3A_73 = tpu.memref_slice %arg11[%dma_wait3A_71, %dma_wait3A_72] : memref<10112x128xf32, #tpu.memory_space<vmem_shared>> -> memref<10112x128xf32, #tpu.memory_space<vmem_shared>>
        tpu.wait_indirect_dma semaphore(%run_scoped3A_61 : memref<!tpu.dma_semaphore, #tpu.memory_space<semaphore_mem>>) src(%arg9 : memref<80x128xf32, #tpu.memory_space<vmem>>) dst(%dma_wait3A_73 : memref<10112x128xf32, #tpu.memory_space<vmem_shared>>)
        tpu.yield
      }) : () -> ()
      %add3A_43 = arith.constant 1 : i32
      %add3A_44 = arith.addi %mul3A_28, %add3A_43 : i32
      %mul3A_45 = arith.constant 80 : i32
      %mul3A_46 = arith.muli %add3A_44, %mul3A_45 : i32
      %dma_wait3A_47 = tpu.memref_slice %arg7[%mul3A_46] : memref<10000xi32, #tpu.memory_space<vmem>> -> memref<80xi32, #tpu.memory_space<vmem>>
      %dma_wait3A_48 = arith.constant 0 : i32
      %dma_wait3A_49 = arith.constant 0 : i32
      %dma_wait3A_50 = tpu.memref_slice %arg2[%dma_wait3A_48, %dma_wait3A_49] : memref<10000x128xf32, #tpu.memory_space<hbm>> -> memref<10000x128xf32, #tpu.memory_space<hbm>>
      tpu.wait_indirect_dma semaphore(%arg13 : memref<!tpu.dma_semaphore, #tpu.memory_space<semaphore_mem>>) src(%dma_wait3A_50 : memref<10000x128xf32, #tpu.memory_space<hbm>>) dst(%arg10 : memref<80x128xf32, #tpu.memory_space<vmem>>)
      %add3A_51 = arith.constant 2 : i32
      %add3A_52 = arith.addi %mul3A_28, %add3A_51 : i32
      %mul3A_53 = arith.constant 80 : i32
      %mul3A_54 = arith.muli %add3A_52, %mul3A_53 : i32
      %dma_start3A_55 = tpu.memref_slice %arg7[%mul3A_54] : memref<10000xi32, #tpu.memory_space<vmem>> -> memref<80xi32, #tpu.memory_space<vmem>>
      %dma_start3A_56 = arith.constant 0 : i32
      %dma_start3A_57 = arith.constant 0 : i32
      %dma_start3A_58 = tpu.memref_slice %arg2[%dma_start3A_56, %dma_start3A_57] : memref<10000x128xf32, #tpu.memory_space<hbm>> -> memref<10000x128xf32, #tpu.memory_space<hbm>>
      tpu.enqueue_indirect_dma source(%dma_start3A_58 : memref<10000x128xf32, #tpu.memory_space<hbm>>) target(%arg9 : memref<80x128xf32, #tpu.memory_space<vmem>>) offsets(%dma_start3A_55 : memref<80xi32, #tpu.memory_space<vmem>>) semaphore(%arg12 : memref<!tpu.dma_semaphore, #tpu.memory_space<semaphore_mem>>)
      %add3A_59 = arith.constant 1 : i32
      %add3A_60 = arith.addi %mul3A_28, %add3A_59 : i32
      "tpu.region"() ({
        %run_scoped3A_61 = tpu.sem_alloc : memref<!tpu.dma_semaphore, #tpu.memory_space<semaphore_mem>>
        %dma_start3A_62 = arith.constant 0 : i32
        %dma_start3A_63 = tpu.memref_slice %arg8[%add3A_60, %dma_start3A_62] : memref<125x80xi32, #tpu.memory_space<vmem>> -> memref<1x80xi32, #tpu.memory_space<vmem>>
        %dma_start3A_64 = tpu.memref_squeeze %dma_start3A_63 : memref<1x80xi32, #tpu.memory_space<vmem>> -> memref<80xi32, #tpu.memory_space<vmem>>
        %dma_start3A_65 = arith.constant 0 : i32
        %dma_start3A_66 = arith.constant 0 : i32
        %dma_start3A_67 = tpu.memref_slice %arg11[%dma_start3A_65, %dma_start3A_66] : memref<10112x128xf32, #tpu.memory_space<vmem_shared>> -> memref<10112x128xf32, #tpu.memory_space<vmem_shared>>
        tpu.enqueue_indirect_dma source(%arg10 : memref<80x128xf32, #tpu.memory_space<vmem>>) target(%dma_start3A_67 : memref<10112x128xf32, #tpu.memory_space<vmem_shared>>) offsets(%dma_start3A_64 : memref<80xi32, #tpu.memory_space<vmem>>) semaphore(%run_scoped3A_61 : memref<!tpu.dma_semaphore, #tpu.memory_space<semaphore_mem>>) {add = true}
        %dma_wait3A_68 = arith.constant 0 : i32
        %dma_wait3A_69 = tpu.memref_slice %arg8[%add3A_60, %dma_wait3A_68] : memref<125x80xi32, #tpu.memory_space<vmem>> -> memref<1x80xi32, #tpu.memory_space<vmem>>
        %dma_wait3A_70 = tpu.memref_squeeze %dma_wait3A_69 : memref<1x80xi32, #tpu.memory_space<vmem>> -> memref<80xi32, #tpu.memory_space<vmem>>
        %dma_wait3A_71 = arith.constant 0 : i32
        %dma_wait3A_72 = arith.constant 0 : i32
        %dma_wait3A_73 = tpu.memref_slice %arg11[%dma_wait3A_71, %dma_wait3A_72] : memref<10112x128xf32, #tpu.memory_space<vmem_shared>> -> memref<10112x128xf32, #tpu.memory_space<vmem_shared>>
        tpu.wait_indirect_dma semaphore(%run_scoped3A_61 : memref<!tpu.dma_semaphore, #tpu.memory_space<semaphore_mem>>) src(%arg10 : memref<80x128xf32, #tpu.memory_space<vmem>>) dst(%dma_wait3A_73 : memref<10112x128xf32, #tpu.memory_space<vmem_shared>>)
        tpu.yield
      }) : () -> ()
    }
    %scan3A_12 = arith.constant 62 : i32
    %dma_wait3A = arith.constant 9920 : i32
    %dma_wait3A_13 = tpu.memref_slice %arg7[%dma_wait3A] : memref<10000xi32, #tpu.memory_space<vmem>> -> memref<80xi32, #tpu.memory_space<vmem>>
    %dma_wait3A_14 = arith.constant 0 : i32
    %dma_wait3A_15 = arith.constant 0 : i32
    %dma_wait3A_16 = tpu.memref_slice %arg2[%dma_wait3A_14, %dma_wait3A_15] : memref<10000x128xf32, #tpu.memory_space<hbm>> -> memref<10000x128xf32, #tpu.memory_space<hbm>>
    tpu.wait_indirect_dma semaphore(%arg12 : memref<!tpu.dma_semaphore, #tpu.memory_space<semaphore_mem>>) src(%dma_wait3A_16 : memref<10000x128xf32, #tpu.memory_space<hbm>>) dst(%arg9 : memref<80x128xf32, #tpu.memory_space<vmem>>)
    %run_scoped3A = arith.constant 124 : i32
    "tpu.region"() ({
      %run_scoped3A_22 = tpu.sem_alloc : memref<!tpu.dma_semaphore, #tpu.memory_space<semaphore_mem>>
      %dma_start3A_23 = arith.constant 0 : i32
      %dma_start3A_24 = tpu.memref_slice %arg8[%run_scoped3A, %dma_start3A_23] : memref<125x80xi32, #tpu.memory_space<vmem>> -> memref<1x80xi32, #tpu.memory_space<vmem>>
      %dma_start3A_25 = tpu.memref_squeeze %dma_start3A_24 : memref<1x80xi32, #tpu.memory_space<vmem>> -> memref<80xi32, #tpu.memory_space<vmem>>
      %dma_start3A_26 = arith.constant 0 : i32
      %dma_start3A_27 = arith.constant 0 : i32
      %dma_start3A_28 = tpu.memref_slice %arg11[%dma_start3A_26, %dma_start3A_27] : memref<10112x128xf32, #tpu.memory_space<vmem_shared>> -> memref<10112x128xf32, #tpu.memory_space<vmem_shared>>
      tpu.enqueue_indirect_dma source(%arg9 : memref<80x128xf32, #tpu.memory_space<vmem>>) target(%dma_start3A_28 : memref<10112x128xf32, #tpu.memory_space<vmem_shared>>) offsets(%dma_start3A_25 : memref<80xi32, #tpu.memory_space<vmem>>) semaphore(%run_scoped3A_22 : memref<!tpu.dma_semaphore, #tpu.memory_space<semaphore_mem>>) {add = true}
      %dma_wait3A_29 = arith.constant 0 : i32
      %dma_wait3A_30 = tpu.memref_slice %arg8[%run_scoped3A, %dma_wait3A_29] : memref<125x80xi32, #tpu.memory_space<vmem>> -> memref<1x80xi32, #tpu.memory_space<vmem>>
      %dma_wait3A_31 = tpu.memref_squeeze %dma_wait3A_30 : memref<1x80xi32, #tpu.memory_space<vmem>> -> memref<80xi32, #tpu.memory_space<vmem>>
      %dma_wait3A_32 = arith.constant 0 : i32
      %dma_wait3A_33 = arith.constant 0 : i32
      %dma_wait3A_34 = tpu.memref_slice %arg11[%dma_wait3A_32, %dma_wait3A_33] : memref<10112x128xf32, #tpu.memory_space<vmem_shared>> -> memref<10112x128xf32, #tpu.memory_space<vmem_shared>>
      tpu.wait_indirect_dma semaphore(%run_scoped3A_22 : memref<!tpu.dma_semaphore, #tpu.memory_space<semaphore_mem>>) src(%arg9 : memref<80x128xf32, #tpu.memory_space<vmem>>) dst(%dma_wait3A_34 : memref<10112x128xf32, #tpu.memory_space<vmem_shared>>)
      tpu.yield
    }) : () -> ()
    %barrier3A_17 = arith.constant 0 : index
    tpu.barrier barrier_id(%barrier3A_17)
    %mul3A_18 = arith.constant 632 : i32
    %mul3A_19 = arith.muli %arg1, %mul3A_18 : i32
    %mul3A_20 = arith.constant 632 : i32
    %mul3A_21 = arith.muli %arg1, %mul3A_20 : i32
    "tpu.region"() ({
      %run_scoped3A_22 = tpu.sem_alloc : memref<!tpu.dma_semaphore, #tpu.memory_space<semaphore_mem>>
      %dma_start3A_23 = arith.constant 0 : i32
      %dma_start3A_24 = tpu.memref_slice %arg6[%arg0, %mul3A_21, %dma_start3A_23] : memref<2x10112x128xf32, #tpu.memory_space<hbm>> -> memref<1x632x128xf32, #tpu.memory_space<hbm>>
      %dma_start3A_25 = tpu.memref_squeeze %dma_start3A_24 : memref<1x632x128xf32, #tpu.memory_space<hbm>> -> memref<632x128xf32, #tpu.memory_space<hbm>>
      %dma_start3A_26 = arith.constant 0 : i32
      %dma_start3A_27 = tpu.memref_slice %arg11[%mul3A_19, %dma_start3A_26] : memref<10112x128xf32, #tpu.memory_space<vmem_shared>> -> memref<632x128xf32, #tpu.memory_space<vmem_shared>>
      tpu.enqueue_dma source(%dma_start3A_27 : memref<632x128xf32, #tpu.memory_space<vmem_shared>>) target(%dma_start3A_25 : memref<632x128xf32, #tpu.memory_space<hbm>>) target_semaphore(%run_scoped3A_22 : memref<!tpu.dma_semaphore, #tpu.memory_space<semaphore_mem>>)
      %dma_wait3A_28 = arith.constant 0 : i32
      %dma_wait3A_29 = tpu.memref_slice %arg6[%arg0, %mul3A_21, %dma_wait3A_28] : memref<2x10112x128xf32, #tpu.memory_space<hbm>> -> memref<1x632x128xf32, #tpu.memory_space<hbm>>
      %dma_wait3A_30 = tpu.memref_squeeze %dma_wait3A_29 : memref<1x632x128xf32, #tpu.memory_space<hbm>> -> memref<632x128xf32, #tpu.memory_space<hbm>>
      %dma_wait3A_31 = arith.constant 0 : i32
      %dma_wait3A_32 = tpu.memref_slice %arg11[%mul3A_19, %dma_wait3A_31] : memref<10112x128xf32, #tpu.memory_space<vmem_shared>> -> memref<632x128xf32, #tpu.memory_space<vmem_shared>>
      tpu.wait_dma2 semaphore(%run_scoped3A_22 : memref<!tpu.dma_semaphore, #tpu.memory_space<semaphore_mem>>) src(%dma_wait3A_32 : memref<632x128xf32, #tpu.memory_space<vmem_shared>>) dst(%dma_wait3A_30 : memref<632x128xf32, #tpu.memory_space<hbm>>)
      tpu.yield
    }) : () -> ()
    return
  }
}

#map = affine_map<(d0, d1) -> (0, 0)>
#map1 = affine_map<(d0, d1) -> (0, 0, 0)>
module attributes {stable_mosaic.version = 14 : i64} {
  func.func @_agg_body(%arg0: i32, %arg1: i32, %arg2: memref<10000x128xf32, #tpu.memory_space<hbm>>, %arg3: memref<32x10000xi32, #tpu.memory_space<hbm>>, %arg4: memref<32x125x80xi32, #tpu.memory_space<hbm>>, %arg5: memref<10112x128xf32, #tpu.memory_space<hbm>>, %arg6: memref<2x10112x128xf32, #tpu.memory_space<hbm>>, %arg7: memref<10000xi32, #tpu.memory_space<vmem>>, %arg8: memref<125x80xi32, #tpu.memory_space<vmem>>, %arg9: memref<80x128xf32, #tpu.memory_space<vmem>>, %arg10: memref<80x128xf32, #tpu.memory_space<vmem>>, %arg11: memref<10112x128xf32, #tpu.memory_space<vmem_shared>>, %arg12: memref<!tpu.dma_semaphore, #tpu.memory_space<semaphore_mem>>, %arg13: memref<!tpu.dma_semaphore, #tpu.memory_space<semaphore_mem>>) attributes {dimension_semantics = [#tpu.dimension_semantics<core_parallel>, #tpu.dimension_semantics<subcore_parallel>], iteration_bounds = array<i64: 2, 16>, scalar_prefetch = 0 : i64, scratch_operands = 7 : i64, tpu.core_type = #tpu.core_type<sc_vector_subcore>, window_params = [{transform_indices = #map}, {transform_indices = #map}, {transform_indices = #map1}, {transform_indices = #map}, {transform_indices = #map1}]} {
    %mul3A = arith.constant 16 : i32
    %mul3A_0 = arith.muli %arg0, %mul3A : i32
    %add3A = arith.addi %mul3A_0, %arg1 : i32
    %mul3A_1 = arith.constant 632 : i32
    %mul3A_2 = arith.muli %arg1, %mul3A_1 : i32
    %mul3A_3 = arith.constant 632 : i32
    %mul3A_4 = arith.muli %arg1, %mul3A_3 : i32
    "tpu.region"() ({
      %run_scoped3A_22 = tpu.sem_alloc : memref<!tpu.dma_semaphore, #tpu.memory_space<semaphore_mem>>
      %dma_start3A_23 = arith.constant 0 : i32
      %dma_start3A_24 = tpu.memref_slice %arg11[%mul3A_4, %dma_start3A_23] : memref<10112x128xf32, #tpu.memory_space<vmem_shared>> -> memref<632x128xf32, #tpu.memory_space<vmem_shared>>
      %dma_start3A_25 = arith.constant 0 : i32
      %dma_start3A_26 = tpu.memref_slice %arg5[%mul3A_2, %dma_start3A_25] : memref<10112x128xf32, #tpu.memory_space<hbm>> -> memref<632x128xf32, #tpu.memory_space<hbm>>
      tpu.enqueue_dma source(%dma_start3A_26 : memref<632x128xf32, #tpu.memory_space<hbm>>) target(%dma_start3A_24 : memref<632x128xf32, #tpu.memory_space<vmem_shared>>) target_semaphore(%run_scoped3A_22 : memref<!tpu.dma_semaphore, #tpu.memory_space<semaphore_mem>>)
      %dma_wait3A_27 = arith.constant 0 : i32
      %dma_wait3A_28 = tpu.memref_slice %arg11[%mul3A_4, %dma_wait3A_27] : memref<10112x128xf32, #tpu.memory_space<vmem_shared>> -> memref<632x128xf32, #tpu.memory_space<vmem_shared>>
      %dma_wait3A_29 = arith.constant 0 : i32
      %dma_wait3A_30 = tpu.memref_slice %arg5[%mul3A_2, %dma_wait3A_29] : memref<10112x128xf32, #tpu.memory_space<hbm>> -> memref<632x128xf32, #tpu.memory_space<hbm>>
      tpu.wait_dma2 semaphore(%run_scoped3A_22 : memref<!tpu.dma_semaphore, #tpu.memory_space<semaphore_mem>>) src(%dma_wait3A_30 : memref<632x128xf32, #tpu.memory_space<hbm>>) dst(%dma_wait3A_28 : memref<632x128xf32, #tpu.memory_space<vmem_shared>>)
      tpu.yield
    }) : () -> ()
    "tpu.region"() ({
      %run_scoped3A_22 = tpu.sem_alloc : memref<!tpu.dma_semaphore, #tpu.memory_space<semaphore_mem>>
      %dma_start3A_23 = arith.constant 0 : i32
      %dma_start3A_24 = tpu.memref_slice %arg3[%add3A, %dma_start3A_23] : memref<32x10000xi32, #tpu.memory_space<hbm>> -> memref<1x10000xi32, #tpu.memory_space<hbm>>
      %dma_start3A_25 = tpu.memref_squeeze %dma_start3A_24 : memref<1x10000xi32, #tpu.memory_space<hbm>> -> memref<10000xi32, #tpu.memory_space<hbm>>
      %dma_start3A_26 = arith.constant 0 : i32
      %dma_start3A_27 = tpu.memref_slice %arg3[%add3A, %dma_start3A_26] : memref<32x10000xi32, #tpu.memory_space<hbm>> -> memref<1x10000xi32, #tpu.memory_space<hbm>>
      %dma_start3A_28 = tpu.memref_squeeze %dma_start3A_27 : memref<1x10000xi32, #tpu.memory_space<hbm>> -> memref<10000xi32, #tpu.memory_space<hbm>>
      tpu.enqueue_dma source(%dma_start3A_28 : memref<10000xi32, #tpu.memory_space<hbm>>) target(%arg7 : memref<10000xi32, #tpu.memory_space<vmem>>) target_semaphore(%run_scoped3A_22 : memref<!tpu.dma_semaphore, #tpu.memory_space<semaphore_mem>>)
      %dma_wait3A_29 = arith.constant 0 : i32
      %dma_wait3A_30 = tpu.memref_slice %arg3[%add3A, %dma_wait3A_29] : memref<32x10000xi32, #tpu.memory_space<hbm>> -> memref<1x10000xi32, #tpu.memory_space<hbm>>
      %dma_wait3A_31 = tpu.memref_squeeze %dma_wait3A_30 : memref<1x10000xi32, #tpu.memory_space<hbm>> -> memref<10000xi32, #tpu.memory_space<hbm>>
      %dma_wait3A_32 = arith.constant 0 : i32
      %dma_wait3A_33 = tpu.memref_slice %arg3[%add3A, %dma_wait3A_32] : memref<32x10000xi32, #tpu.memory_space<hbm>> -> memref<1x10000xi32, #tpu.memory_space<hbm>>
      %dma_wait3A_34 = tpu.memref_squeeze %dma_wait3A_33 : memref<1x10000xi32, #tpu.memory_space<hbm>> -> memref<10000xi32, #tpu.memory_space<hbm>>
      tpu.wait_dma2 semaphore(%run_scoped3A_22 : memref<!tpu.dma_semaphore, #tpu.memory_space<semaphore_mem>>) src(%dma_wait3A_34 : memref<10000xi32, #tpu.memory_space<hbm>>) dst(%arg7 : memref<10000xi32, #tpu.memory_space<vmem>>)
      tpu.yield
    }) : () -> ()
    "tpu.region"() ({
      %run_scoped3A_22 = tpu.sem_alloc : memref<!tpu.dma_semaphore, #tpu.memory_space<semaphore_mem>>
      %dma_start3A_23 = arith.constant 0 : i32
      %dma_start3A_24 = arith.constant 0 : i32
      %dma_start3A_25 = tpu.memref_slice %arg4[%add3A, %dma_start3A_23, %dma_start3A_24] : memref<32x125x80xi32, #tpu.memory_space<hbm>> -> memref<1x125x80xi32, #tpu.memory_space<hbm>>
      %dma_start3A_26 = tpu.memref_squeeze %dma_start3A_25 : memref<1x125x80xi32, #tpu.memory_space<hbm>> -> memref<125x80xi32, #tpu.memory_space<hbm>>
      %dma_start3A_27 = arith.constant 0 : i32
      %dma_start3A_28 = arith.constant 0 : i32
      %dma_start3A_29 = tpu.memref_slice %arg4[%add3A, %dma_start3A_27, %dma_start3A_28] : memref<32x125x80xi32, #tpu.memory_space<hbm>> -> memref<1x125x80xi32, #tpu.memory_space<hbm>>
      %dma_start3A_30 = tpu.memref_squeeze %dma_start3A_29 : memref<1x125x80xi32, #tpu.memory_space<hbm>> -> memref<125x80xi32, #tpu.memory_space<hbm>>
      tpu.enqueue_dma source(%dma_start3A_30 : memref<125x80xi32, #tpu.memory_space<hbm>>) target(%arg8 : memref<125x80xi32, #tpu.memory_space<vmem>>) target_semaphore(%run_scoped3A_22 : memref<!tpu.dma_semaphore, #tpu.memory_space<semaphore_mem>>)
      %dma_wait3A_31 = arith.constant 0 : i32
      %dma_wait3A_32 = arith.constant 0 : i32
      %dma_wait3A_33 = tpu.memref_slice %arg4[%add3A, %dma_wait3A_31, %dma_wait3A_32] : memref<32x125x80xi32, #tpu.memory_space<hbm>> -> memref<1x125x80xi32, #tpu.memory_space<hbm>>
      %dma_wait3A_34 = tpu.memref_squeeze %dma_wait3A_33 : memref<1x125x80xi32, #tpu.memory_space<hbm>> -> memref<125x80xi32, #tpu.memory_space<hbm>>
      %dma_wait3A_35 = arith.constant 0 : i32
      %dma_wait3A_36 = arith.constant 0 : i32
      %dma_wait3A_37 = tpu.memref_slice %arg4[%add3A, %dma_wait3A_35, %dma_wait3A_36] : memref<32x125x80xi32, #tpu.memory_space<hbm>> -> memref<1x125x80xi32, #tpu.memory_space<hbm>>
      %dma_wait3A_38 = tpu.memref_squeeze %dma_wait3A_37 : memref<1x125x80xi32, #tpu.memory_space<hbm>> -> memref<125x80xi32, #tpu.memory_space<hbm>>
      tpu.wait_dma2 semaphore(%run_scoped3A_22 : memref<!tpu.dma_semaphore, #tpu.memory_space<semaphore_mem>>) src(%dma_wait3A_38 : memref<125x80xi32, #tpu.memory_space<hbm>>) dst(%arg8 : memref<125x80xi32, #tpu.memory_space<vmem>>)
      tpu.yield
    }) : () -> ()
    %barrier3A = arith.constant 0 : index
    tpu.barrier barrier_id(%barrier3A)
    %dma_start3A = arith.constant 0 : i32
    %dma_start3A_5 = tpu.memref_slice %arg7[%dma_start3A] : memref<10000xi32, #tpu.memory_space<vmem>> -> memref<80xi32, #tpu.memory_space<vmem>>
    %dma_start3A_6 = arith.constant 0 : i32
    %dma_start3A_7 = arith.constant 0 : i32
    %dma_start3A_8 = tpu.memref_slice %arg2[%dma_start3A_6, %dma_start3A_7] : memref<10000x128xf32, #tpu.memory_space<hbm>> -> memref<10000x128xf32, #tpu.memory_space<hbm>>
    tpu.enqueue_indirect_dma source(%dma_start3A_8 : memref<10000x128xf32, #tpu.memory_space<hbm>>) target(%arg9 : memref<80x128xf32, #tpu.memory_space<vmem>>) offsets(%dma_start3A_5 : memref<80xi32, #tpu.memory_space<vmem>>) semaphore(%arg12 : memref<!tpu.dma_semaphore, #tpu.memory_space<semaphore_mem>>)
    %scan3A = arith.constant 0 : i32
    %scan3A_9 = arith.constant 62 : i32
    %scan3A_10 = arith.addi %scan3A, %scan3A_9 : i32
    %scan3A_11 = arith.constant 1 : i32
    scf.for %scan3A_22 = %scan3A to %scan3A_10 step %scan3A_11  : i32 {
      %mul3A_23 = arith.constant 1 : i32
      %mul3A_24 = arith.muli %scan3A_22, %mul3A_23 : i32
      %add3A_25 = arith.constant 0 : i32
      %add3A_26 = arith.addi %add3A_25, %mul3A_24 : i32
      %mul3A_27 = arith.constant 2 : i32
      %mul3A_28 = arith.muli %mul3A_27, %add3A_26 : i32
      %mul3A_29 = arith.constant 80 : i32
      %mul3A_30 = arith.muli %mul3A_28, %mul3A_29 : i32
      %dma_wait3A_31 = tpu.memref_slice %arg7[%mul3A_30] : memref<10000xi32, #tpu.memory_space<vmem>> -> memref<80xi32, #tpu.memory_space<vmem>>
      %dma_wait3A_32 = arith.constant 0 : i32
      %dma_wait3A_33 = arith.constant 0 : i32
      %dma_wait3A_34 = tpu.memref_slice %arg2[%dma_wait3A_32, %dma_wait3A_33] : memref<10000x128xf32, #tpu.memory_space<hbm>> -> memref<10000x128xf32, #tpu.memory_space<hbm>>
      tpu.wait_indirect_dma semaphore(%arg12 : memref<!tpu.dma_semaphore, #tpu.memory_space<semaphore_mem>>) src(%dma_wait3A_34 : memref<10000x128xf32, #tpu.memory_space<hbm>>) dst(%arg9 : memref<80x128xf32, #tpu.memory_space<vmem>>)
      %add3A_35 = arith.constant 1 : i32
      %add3A_36 = arith.addi %mul3A_28, %add3A_35 : i32
      %mul3A_37 = arith.constant 80 : i32
      %mul3A_38 = arith.muli %add3A_36, %mul3A_37 : i32
      %dma_start3A_39 = tpu.memref_slice %arg7[%mul3A_38] : memref<10000xi32, #tpu.memory_space<vmem>> -> memref<80xi32, #tpu.memory_space<vmem>>
      %dma_start3A_40 = arith.constant 0 : i32
      %dma_start3A_41 = arith.constant 0 : i32
      %dma_start3A_42 = tpu.memref_slice %arg2[%dma_start3A_40, %dma_start3A_41] : memref<10000x128xf32, #tpu.memory_space<hbm>> -> memref<10000x128xf32, #tpu.memory_space<hbm>>
      tpu.enqueue_indirect_dma source(%dma_start3A_42 : memref<10000x128xf32, #tpu.memory_space<hbm>>) target(%arg10 : memref<80x128xf32, #tpu.memory_space<vmem>>) offsets(%dma_start3A_39 : memref<80xi32, #tpu.memory_space<vmem>>) semaphore(%arg13 : memref<!tpu.dma_semaphore, #tpu.memory_space<semaphore_mem>>)
      "tpu.region"() ({
        %run_scoped3A_61 = tpu.sem_alloc : memref<!tpu.dma_semaphore, #tpu.memory_space<semaphore_mem>>
        %dma_start3A_62 = arith.constant 0 : i32
        %dma_start3A_63 = tpu.memref_slice %arg8[%mul3A_28, %dma_start3A_62] : memref<125x80xi32, #tpu.memory_space<vmem>> -> memref<1x80xi32, #tpu.memory_space<vmem>>
        %dma_start3A_64 = tpu.memref_squeeze %dma_start3A_63 : memref<1x80xi32, #tpu.memory_space<vmem>> -> memref<80xi32, #tpu.memory_space<vmem>>
        %dma_start3A_65 = arith.constant 0 : i32
        %dma_start3A_66 = arith.constant 0 : i32
        %dma_start3A_67 = tpu.memref_slice %arg11[%dma_start3A_65, %dma_start3A_66] : memref<10112x128xf32, #tpu.memory_space<vmem_shared>> -> memref<10112x128xf32, #tpu.memory_space<vmem_shared>>
        tpu.enqueue_indirect_dma source(%arg9 : memref<80x128xf32, #tpu.memory_space<vmem>>) target(%dma_start3A_67 : memref<10112x128xf32, #tpu.memory_space<vmem_shared>>) offsets(%dma_start3A_64 : memref<80xi32, #tpu.memory_space<vmem>>) semaphore(%run_scoped3A_61 : memref<!tpu.dma_semaphore, #tpu.memory_space<semaphore_mem>>) {add = true}
        %dma_wait3A_68 = arith.constant 0 : i32
        %dma_wait3A_69 = tpu.memref_slice %arg8[%mul3A_28, %dma_wait3A_68] : memref<125x80xi32, #tpu.memory_space<vmem>> -> memref<1x80xi32, #tpu.memory_space<vmem>>
        %dma_wait3A_70 = tpu.memref_squeeze %dma_wait3A_69 : memref<1x80xi32, #tpu.memory_space<vmem>> -> memref<80xi32, #tpu.memory_space<vmem>>
        %dma_wait3A_71 = arith.constant 0 : i32
        %dma_wait3A_72 = arith.constant 0 : i32
        %dma_wait3A_73 = tpu.memref_slice %arg11[%dma_wait3A_71, %dma_wait3A_72] : memref<10112x128xf32, #tpu.memory_space<vmem_shared>> -> memref<10112x128xf32, #tpu.memory_space<vmem_shared>>
        tpu.wait_indirect_dma semaphore(%run_scoped3A_61 : memref<!tpu.dma_semaphore, #tpu.memory_space<semaphore_mem>>) src(%arg9 : memref<80x128xf32, #tpu.memory_space<vmem>>) dst(%dma_wait3A_73 : memref<10112x128xf32, #tpu.memory_space<vmem_shared>>)
        tpu.yield
      }) : () -> ()
      %add3A_43 = arith.constant 1 : i32
      %add3A_44 = arith.addi %mul3A_28, %add3A_43 : i32
      %mul3A_45 = arith.constant 80 : i32
      %mul3A_46 = arith.muli %add3A_44, %mul3A_45 : i32
      %dma_wait3A_47 = tpu.memref_slice %arg7[%mul3A_46] : memref<10000xi32, #tpu.memory_space<vmem>> -> memref<80xi32, #tpu.memory_space<vmem>>
      %dma_wait3A_48 = arith.constant 0 : i32
      %dma_wait3A_49 = arith.constant 0 : i32
      %dma_wait3A_50 = tpu.memref_slice %arg2[%dma_wait3A_48, %dma_wait3A_49] : memref<10000x128xf32, #tpu.memory_space<hbm>> -> memref<10000x128xf32, #tpu.memory_space<hbm>>
      tpu.wait_indirect_dma semaphore(%arg13 : memref<!tpu.dma_semaphore, #tpu.memory_space<semaphore_mem>>) src(%dma_wait3A_50 : memref<10000x128xf32, #tpu.memory_space<hbm>>) dst(%arg10 : memref<80x128xf32, #tpu.memory_space<vmem>>)
      %add3A_51 = arith.constant 2 : i32
      %add3A_52 = arith.addi %mul3A_28, %add3A_51 : i32
      %mul3A_53 = arith.constant 80 : i32
      %mul3A_54 = arith.muli %add3A_52, %mul3A_53 : i32
      %dma_start3A_55 = tpu.memref_slice %arg7[%mul3A_54] : memref<10000xi32, #tpu.memory_space<vmem>> -> memref<80xi32, #tpu.memory_space<vmem>>
      %dma_start3A_56 = arith.constant 0 : i32
      %dma_start3A_57 = arith.constant 0 : i32
      %dma_start3A_58 = tpu.memref_slice %arg2[%dma_start3A_56, %dma_start3A_57] : memref<10000x128xf32, #tpu.memory_space<hbm>> -> memref<10000x128xf32, #tpu.memory_space<hbm>>
      tpu.enqueue_indirect_dma source(%dma_start3A_58 : memref<10000x128xf32, #tpu.memory_space<hbm>>) target(%arg9 : memref<80x128xf32, #tpu.memory_space<vmem>>) offsets(%dma_start3A_55 : memref<80xi32, #tpu.memory_space<vmem>>) semaphore(%arg12 : memref<!tpu.dma_semaphore, #tpu.memory_space<semaphore_mem>>)
      %add3A_59 = arith.constant 1 : i32
      %add3A_60 = arith.addi %mul3A_28, %add3A_59 : i32
      "tpu.region"() ({
        %run_scoped3A_61 = tpu.sem_alloc : memref<!tpu.dma_semaphore, #tpu.memory_space<semaphore_mem>>
        %dma_start3A_62 = arith.constant 0 : i32
        %dma_start3A_63 = tpu.memref_slice %arg8[%add3A_60, %dma_start3A_62] : memref<125x80xi32, #tpu.memory_space<vmem>> -> memref<1x80xi32, #tpu.memory_space<vmem>>
        %dma_start3A_64 = tpu.memref_squeeze %dma_start3A_63 : memref<1x80xi32, #tpu.memory_space<vmem>> -> memref<80xi32, #tpu.memory_space<vmem>>
        %dma_start3A_65 = arith.constant 0 : i32
        %dma_start3A_66 = arith.constant 0 : i32
        %dma_start3A_67 = tpu.memref_slice %arg11[%dma_start3A_65, %dma_start3A_66] : memref<10112x128xf32, #tpu.memory_space<vmem_shared>> -> memref<10112x128xf32, #tpu.memory_space<vmem_shared>>
        tpu.enqueue_indirect_dma source(%arg10 : memref<80x128xf32, #tpu.memory_space<vmem>>) target(%dma_start3A_67 : memref<10112x128xf32, #tpu.memory_space<vmem_shared>>) offsets(%dma_start3A_64 : memref<80xi32, #tpu.memory_space<vmem>>) semaphore(%run_scoped3A_61 : memref<!tpu.dma_semaphore, #tpu.memory_space<semaphore_mem>>) {add = true}
        %dma_wait3A_68 = arith.constant 0 : i32
        %dma_wait3A_69 = tpu.memref_slice %arg8[%add3A_60, %dma_wait3A_68] : memref<125x80xi32, #tpu.memory_space<vmem>> -> memref<1x80xi32, #tpu.memory_space<vmem>>
        %dma_wait3A_70 = tpu.memref_squeeze %dma_wait3A_69 : memref<1x80xi32, #tpu.memory_space<vmem>> -> memref<80xi32, #tpu.memory_space<vmem>>
        %dma_wait3A_71 = arith.constant 0 : i32
        %dma_wait3A_72 = arith.constant 0 : i32
        %dma_wait3A_73 = tpu.memref_slice %arg11[%dma_wait3A_71, %dma_wait3A_72] : memref<10112x128xf32, #tpu.memory_space<vmem_shared>> -> memref<10112x128xf32, #tpu.memory_space<vmem_shared>>
        tpu.wait_indirect_dma semaphore(%run_scoped3A_61 : memref<!tpu.dma_semaphore, #tpu.memory_space<semaphore_mem>>) src(%arg10 : memref<80x128xf32, #tpu.memory_space<vmem>>) dst(%dma_wait3A_73 : memref<10112x128xf32, #tpu.memory_space<vmem_shared>>)
        tpu.yield
      }) : () -> ()
    }
    %scan3A_12 = arith.constant 62 : i32
    %dma_wait3A = arith.constant 9920 : i32
    %dma_wait3A_13 = tpu.memref_slice %arg7[%dma_wait3A] : memref<10000xi32, #tpu.memory_space<vmem>> -> memref<80xi32, #tpu.memory_space<vmem>>
    %dma_wait3A_14 = arith.constant 0 : i32
    %dma_wait3A_15 = arith.constant 0 : i32
    %dma_wait3A_16 = tpu.memref_slice %arg2[%dma_wait3A_14, %dma_wait3A_15] : memref<10000x128xf32, #tpu.memory_space<hbm>> -> memref<10000x128xf32, #tpu.memory_space<hbm>>
    tpu.wait_indirect_dma semaphore(%arg12 : memref<!tpu.dma_semaphore, #tpu.memory_space<semaphore_mem>>) src(%dma_wait3A_16 : memref<10000x128xf32, #tpu.memory_space<hbm>>) dst(%arg9 : memref<80x128xf32, #tpu.memory_space<vmem>>)
    %run_scoped3A = arith.constant 124 : i32
    "tpu.region"() ({
      %run_scoped3A_22 = tpu.sem_alloc : memref<!tpu.dma_semaphore, #tpu.memory_space<semaphore_mem>>
      %dma_start3A_23 = arith.constant 0 : i32
      %dma_start3A_24 = tpu.memref_slice %arg8[%run_scoped3A, %dma_start3A_23] : memref<125x80xi32, #tpu.memory_space<vmem>> -> memref<1x80xi32, #tpu.memory_space<vmem>>
      %dma_start3A_25 = tpu.memref_squeeze %dma_start3A_24 : memref<1x80xi32, #tpu.memory_space<vmem>> -> memref<80xi32, #tpu.memory_space<vmem>>
      %dma_start3A_26 = arith.constant 0 : i32
      %dma_start3A_27 = arith.constant 0 : i32
      %dma_start3A_28 = tpu.memref_slice %arg11[%dma_start3A_26, %dma_start3A_27] : memref<10112x128xf32, #tpu.memory_space<vmem_shared>> -> memref<10112x128xf32, #tpu.memory_space<vmem_shared>>
      tpu.enqueue_indirect_dma source(%arg9 : memref<80x128xf32, #tpu.memory_space<vmem>>) target(%dma_start3A_28 : memref<10112x128xf32, #tpu.memory_space<vmem_shared>>) offsets(%dma_start3A_25 : memref<80xi32, #tpu.memory_space<vmem>>) semaphore(%run_scoped3A_22 : memref<!tpu.dma_semaphore, #tpu.memory_space<semaphore_mem>>) {add = true}
      %dma_wait3A_29 = arith.constant 0 : i32
      %dma_wait3A_30 = tpu.memref_slice %arg8[%run_scoped3A, %dma_wait3A_29] : memref<125x80xi32, #tpu.memory_space<vmem>> -> memref<1x80xi32, #tpu.memory_space<vmem>>
      %dma_wait3A_31 = tpu.memref_squeeze %dma_wait3A_30 : memref<1x80xi32, #tpu.memory_space<vmem>> -> memref<80xi32, #tpu.memory_space<vmem>>
      %dma_wait3A_32 = arith.constant 0 : i32
      %dma_wait3A_33 = arith.constant 0 : i32
      %dma_wait3A_34 = tpu.memref_slice %arg11[%dma_wait3A_32, %dma_wait3A_33] : memref<10112x128xf32, #tpu.memory_space<vmem_shared>> -> memref<10112x128xf32, #tpu.memory_space<vmem_shared>>
      tpu.wait_indirect_dma semaphore(%run_scoped3A_22 : memref<!tpu.dma_semaphore, #tpu.memory_space<semaphore_mem>>) src(%arg9 : memref<80x128xf32, #tpu.memory_space<vmem>>) dst(%dma_wait3A_34 : memref<10112x128xf32, #tpu.memory_space<vmem_shared>>)
      tpu.yield
    }) : () -> ()
    %barrier3A_17 = arith.constant 0 : index
    tpu.barrier barrier_id(%barrier3A_17)
    %mul3A_18 = arith.constant 632 : i32
    %mul3A_19 = arith.muli %arg1, %mul3A_18 : i32
    %mul3A_20 = arith.constant 632 : i32
    %mul3A_21 = arith.muli %arg1, %mul3A_20 : i32
    "tpu.region"() ({
      %run_scoped3A_22 = tpu.sem_alloc : memref<!tpu.dma_semaphore, #tpu.memory_space<semaphore_mem>>
      %dma_start3A_23 = arith.constant 0 : i32
      %dma_start3A_24 = tpu.memref_slice %arg6[%arg0, %mul3A_21, %dma_start3A_23] : memref<2x10112x128xf32, #tpu.memory_space<hbm>> -> memref<1x632x128xf32, #tpu.memory_space<hbm>>
      %dma_start3A_25 = tpu.memref_squeeze %dma_start3A_24 : memref<1x632x128xf32, #tpu.memory_space<hbm>> -> memref<632x128xf32, #tpu.memory_space<hbm>>
      %dma_start3A_26 = arith.constant 0 : i32
      %dma_start3A_27 = tpu.memref_slice %arg11[%mul3A_19, %dma_start3A_26] : memref<10112x128xf32, #tpu.memory_space<vmem_shared>> -> memref<632x128xf32, #tpu.memory_space<vmem_shared>>
      tpu.enqueue_dma source(%dma_start3A_27 : memref<632x128xf32, #tpu.memory_space<vmem_shared>>) target(%dma_start3A_25 : memref<632x128xf32, #tpu.memory_space<hbm>>) target_semaphore(%run_scoped3A_22 : memref<!tpu.dma_semaphore, #tpu.memory_space<semaphore_mem>>)
      %dma_wait3A_28 = arith.constant 0 : i32
      %dma_wait3A_29 = tpu.memref_slice %arg6[%arg0, %mul3A_21, %dma_wait3A_28] : memref<2x10112x128xf32, #tpu.memory_space<hbm>> -> memref<1x632x128xf32, #tpu.memory_space<hbm>>
      %dma_wait3A_30 = tpu.memref_squeeze %dma_wait3A_29 : memref<1x632x128xf32, #tpu.memory_space<hbm>> -> memref<632x128xf32, #tpu.memory_space<hbm>>
      %dma_wait3A_31 = arith.constant 0 : i32
      %dma_wait3A_32 = tpu.memref_slice %arg11[%mul3A_19, %dma_wait3A_31] : memref<10112x128xf32, #tpu.memory_space<vmem_shared>> -> memref<632x128xf32, #tpu.memory_space<vmem_shared>>
      tpu.wait_dma2 semaphore(%run_scoped3A_22 : memref<!tpu.dma_semaphore, #tpu.memory_space<semaphore_mem>>) src(%dma_wait3A_32 : memref<632x128xf32, #tpu.memory_space<vmem_shared>>) dst(%dma_wait3A_30 : memref<632x128xf32, #tpu.memory_space<hbm>>)
      tpu.yield
    }) : () -> ()
    return
  }
}

#map = affine_map<(d0, d1) -> (0, 0)>
#map1 = affine_map<(d0, d1) -> (0, 0, 0)>
module attributes {stable_mosaic.version = 14 : i64} {
  func.func @_agg_body(%arg0: i32, %arg1: i32, %arg2: memref<10000x128xf32, #tpu.memory_space<hbm>>, %arg3: memref<32x10000xi32, #tpu.memory_space<hbm>>, %arg4: memref<32x125x80xi32, #tpu.memory_space<hbm>>, %arg5: memref<10112x128xf32, #tpu.memory_space<hbm>>, %arg6: memref<2x10112x128xf32, #tpu.memory_space<hbm>>, %arg7: memref<10000xi32, #tpu.memory_space<vmem>>, %arg8: memref<125x80xi32, #tpu.memory_space<vmem>>, %arg9: memref<80x128xf32, #tpu.memory_space<vmem>>, %arg10: memref<80x128xf32, #tpu.memory_space<vmem>>, %arg11: memref<10112x128xf32, #tpu.memory_space<vmem_shared>>, %arg12: memref<!tpu.dma_semaphore, #tpu.memory_space<semaphore_mem>>, %arg13: memref<!tpu.dma_semaphore, #tpu.memory_space<semaphore_mem>>) attributes {dimension_semantics = [#tpu.dimension_semantics<core_parallel>, #tpu.dimension_semantics<subcore_parallel>], iteration_bounds = array<i64: 2, 16>, scalar_prefetch = 0 : i64, scratch_operands = 7 : i64, tpu.core_type = #tpu.core_type<sc_vector_subcore>, window_params = [{transform_indices = #map}, {transform_indices = #map}, {transform_indices = #map1}, {transform_indices = #map}, {transform_indices = #map1}]} {
    %mul3A = arith.constant 16 : i32
    %mul3A_0 = arith.muli %arg0, %mul3A : i32
    %add3A = arith.addi %mul3A_0, %arg1 : i32
    %mul3A_1 = arith.constant 632 : i32
    %mul3A_2 = arith.muli %arg1, %mul3A_1 : i32
    %mul3A_3 = arith.constant 632 : i32
    %mul3A_4 = arith.muli %arg1, %mul3A_3 : i32
    "tpu.region"() ({
      %run_scoped3A_22 = tpu.sem_alloc : memref<!tpu.dma_semaphore, #tpu.memory_space<semaphore_mem>>
      %dma_start3A_23 = arith.constant 0 : i32
      %dma_start3A_24 = tpu.memref_slice %arg11[%mul3A_4, %dma_start3A_23] : memref<10112x128xf32, #tpu.memory_space<vmem_shared>> -> memref<632x128xf32, #tpu.memory_space<vmem_shared>>
      %dma_start3A_25 = arith.constant 0 : i32
      %dma_start3A_26 = tpu.memref_slice %arg5[%mul3A_2, %dma_start3A_25] : memref<10112x128xf32, #tpu.memory_space<hbm>> -> memref<632x128xf32, #tpu.memory_space<hbm>>
      tpu.enqueue_dma source(%dma_start3A_26 : memref<632x128xf32, #tpu.memory_space<hbm>>) target(%dma_start3A_24 : memref<632x128xf32, #tpu.memory_space<vmem_shared>>) target_semaphore(%run_scoped3A_22 : memref<!tpu.dma_semaphore, #tpu.memory_space<semaphore_mem>>)
      %dma_wait3A_27 = arith.constant 0 : i32
      %dma_wait3A_28 = tpu.memref_slice %arg11[%mul3A_4, %dma_wait3A_27] : memref<10112x128xf32, #tpu.memory_space<vmem_shared>> -> memref<632x128xf32, #tpu.memory_space<vmem_shared>>
      %dma_wait3A_29 = arith.constant 0 : i32
      %dma_wait3A_30 = tpu.memref_slice %arg5[%mul3A_2, %dma_wait3A_29] : memref<10112x128xf32, #tpu.memory_space<hbm>> -> memref<632x128xf32, #tpu.memory_space<hbm>>
      tpu.wait_dma2 semaphore(%run_scoped3A_22 : memref<!tpu.dma_semaphore, #tpu.memory_space<semaphore_mem>>) src(%dma_wait3A_30 : memref<632x128xf32, #tpu.memory_space<hbm>>) dst(%dma_wait3A_28 : memref<632x128xf32, #tpu.memory_space<vmem_shared>>)
      tpu.yield
    }) : () -> ()
    "tpu.region"() ({
      %run_scoped3A_22 = tpu.sem_alloc : memref<!tpu.dma_semaphore, #tpu.memory_space<semaphore_mem>>
      %dma_start3A_23 = arith.constant 0 : i32
      %dma_start3A_24 = tpu.memref_slice %arg3[%add3A, %dma_start3A_23] : memref<32x10000xi32, #tpu.memory_space<hbm>> -> memref<1x10000xi32, #tpu.memory_space<hbm>>
      %dma_start3A_25 = tpu.memref_squeeze %dma_start3A_24 : memref<1x10000xi32, #tpu.memory_space<hbm>> -> memref<10000xi32, #tpu.memory_space<hbm>>
      %dma_start3A_26 = arith.constant 0 : i32
      %dma_start3A_27 = tpu.memref_slice %arg3[%add3A, %dma_start3A_26] : memref<32x10000xi32, #tpu.memory_space<hbm>> -> memref<1x10000xi32, #tpu.memory_space<hbm>>
      %dma_start3A_28 = tpu.memref_squeeze %dma_start3A_27 : memref<1x10000xi32, #tpu.memory_space<hbm>> -> memref<10000xi32, #tpu.memory_space<hbm>>
      tpu.enqueue_dma source(%dma_start3A_28 : memref<10000xi32, #tpu.memory_space<hbm>>) target(%arg7 : memref<10000xi32, #tpu.memory_space<vmem>>) target_semaphore(%run_scoped3A_22 : memref<!tpu.dma_semaphore, #tpu.memory_space<semaphore_mem>>)
      %dma_wait3A_29 = arith.constant 0 : i32
      %dma_wait3A_30 = tpu.memref_slice %arg3[%add3A, %dma_wait3A_29] : memref<32x10000xi32, #tpu.memory_space<hbm>> -> memref<1x10000xi32, #tpu.memory_space<hbm>>
      %dma_wait3A_31 = tpu.memref_squeeze %dma_wait3A_30 : memref<1x10000xi32, #tpu.memory_space<hbm>> -> memref<10000xi32, #tpu.memory_space<hbm>>
      %dma_wait3A_32 = arith.constant 0 : i32
      %dma_wait3A_33 = tpu.memref_slice %arg3[%add3A, %dma_wait3A_32] : memref<32x10000xi32, #tpu.memory_space<hbm>> -> memref<1x10000xi32, #tpu.memory_space<hbm>>
      %dma_wait3A_34 = tpu.memref_squeeze %dma_wait3A_33 : memref<1x10000xi32, #tpu.memory_space<hbm>> -> memref<10000xi32, #tpu.memory_space<hbm>>
      tpu.wait_dma2 semaphore(%run_scoped3A_22 : memref<!tpu.dma_semaphore, #tpu.memory_space<semaphore_mem>>) src(%dma_wait3A_34 : memref<10000xi32, #tpu.memory_space<hbm>>) dst(%arg7 : memref<10000xi32, #tpu.memory_space<vmem>>)
      tpu.yield
    }) : () -> ()
    "tpu.region"() ({
      %run_scoped3A_22 = tpu.sem_alloc : memref<!tpu.dma_semaphore, #tpu.memory_space<semaphore_mem>>
      %dma_start3A_23 = arith.constant 0 : i32
      %dma_start3A_24 = arith.constant 0 : i32
      %dma_start3A_25 = tpu.memref_slice %arg4[%add3A, %dma_start3A_23, %dma_start3A_24] : memref<32x125x80xi32, #tpu.memory_space<hbm>> -> memref<1x125x80xi32, #tpu.memory_space<hbm>>
      %dma_start3A_26 = tpu.memref_squeeze %dma_start3A_25 : memref<1x125x80xi32, #tpu.memory_space<hbm>> -> memref<125x80xi32, #tpu.memory_space<hbm>>
      %dma_start3A_27 = arith.constant 0 : i32
      %dma_start3A_28 = arith.constant 0 : i32
      %dma_start3A_29 = tpu.memref_slice %arg4[%add3A, %dma_start3A_27, %dma_start3A_28] : memref<32x125x80xi32, #tpu.memory_space<hbm>> -> memref<1x125x80xi32, #tpu.memory_space<hbm>>
      %dma_start3A_30 = tpu.memref_squeeze %dma_start3A_29 : memref<1x125x80xi32, #tpu.memory_space<hbm>> -> memref<125x80xi32, #tpu.memory_space<hbm>>
      tpu.enqueue_dma source(%dma_start3A_30 : memref<125x80xi32, #tpu.memory_space<hbm>>) target(%arg8 : memref<125x80xi32, #tpu.memory_space<vmem>>) target_semaphore(%run_scoped3A_22 : memref<!tpu.dma_semaphore, #tpu.memory_space<semaphore_mem>>)
      %dma_wait3A_31 = arith.constant 0 : i32
      %dma_wait3A_32 = arith.constant 0 : i32
      %dma_wait3A_33 = tpu.memref_slice %arg4[%add3A, %dma_wait3A_31, %dma_wait3A_32] : memref<32x125x80xi32, #tpu.memory_space<hbm>> -> memref<1x125x80xi32, #tpu.memory_space<hbm>>
      %dma_wait3A_34 = tpu.memref_squeeze %dma_wait3A_33 : memref<1x125x80xi32, #tpu.memory_space<hbm>> -> memref<125x80xi32, #tpu.memory_space<hbm>>
      %dma_wait3A_35 = arith.constant 0 : i32
      %dma_wait3A_36 = arith.constant 0 : i32
      %dma_wait3A_37 = tpu.memref_slice %arg4[%add3A, %dma_wait3A_35, %dma_wait3A_36] : memref<32x125x80xi32, #tpu.memory_space<hbm>> -> memref<1x125x80xi32, #tpu.memory_space<hbm>>
      %dma_wait3A_38 = tpu.memref_squeeze %dma_wait3A_37 : memref<1x125x80xi32, #tpu.memory_space<hbm>> -> memref<125x80xi32, #tpu.memory_space<hbm>>
      tpu.wait_dma2 semaphore(%run_scoped3A_22 : memref<!tpu.dma_semaphore, #tpu.memory_space<semaphore_mem>>) src(%dma_wait3A_38 : memref<125x80xi32, #tpu.memory_space<hbm>>) dst(%arg8 : memref<125x80xi32, #tpu.memory_space<vmem>>)
      tpu.yield
    }) : () -> ()
    %barrier3A = arith.constant 0 : index
    tpu.barrier barrier_id(%barrier3A)
    %dma_start3A = arith.constant 0 : i32
    %dma_start3A_5 = tpu.memref_slice %arg7[%dma_start3A] : memref<10000xi32, #tpu.memory_space<vmem>> -> memref<80xi32, #tpu.memory_space<vmem>>
    %dma_start3A_6 = arith.constant 0 : i32
    %dma_start3A_7 = arith.constant 0 : i32
    %dma_start3A_8 = tpu.memref_slice %arg2[%dma_start3A_6, %dma_start3A_7] : memref<10000x128xf32, #tpu.memory_space<hbm>> -> memref<10000x128xf32, #tpu.memory_space<hbm>>
    tpu.enqueue_indirect_dma source(%dma_start3A_8 : memref<10000x128xf32, #tpu.memory_space<hbm>>) target(%arg9 : memref<80x128xf32, #tpu.memory_space<vmem>>) offsets(%dma_start3A_5 : memref<80xi32, #tpu.memory_space<vmem>>) semaphore(%arg12 : memref<!tpu.dma_semaphore, #tpu.memory_space<semaphore_mem>>)
    %scan3A = arith.constant 0 : i32
    %scan3A_9 = arith.constant 62 : i32
    %scan3A_10 = arith.addi %scan3A, %scan3A_9 : i32
    %scan3A_11 = arith.constant 1 : i32
    scf.for %scan3A_22 = %scan3A to %scan3A_10 step %scan3A_11  : i32 {
      %mul3A_23 = arith.constant 1 : i32
      %mul3A_24 = arith.muli %scan3A_22, %mul3A_23 : i32
      %add3A_25 = arith.constant 0 : i32
      %add3A_26 = arith.addi %add3A_25, %mul3A_24 : i32
      %mul3A_27 = arith.constant 2 : i32
      %mul3A_28 = arith.muli %mul3A_27, %add3A_26 : i32
      %mul3A_29 = arith.constant 80 : i32
      %mul3A_30 = arith.muli %mul3A_28, %mul3A_29 : i32
      %dma_wait3A_31 = tpu.memref_slice %arg7[%mul3A_30] : memref<10000xi32, #tpu.memory_space<vmem>> -> memref<80xi32, #tpu.memory_space<vmem>>
      %dma_wait3A_32 = arith.constant 0 : i32
      %dma_wait3A_33 = arith.constant 0 : i32
      %dma_wait3A_34 = tpu.memref_slice %arg2[%dma_wait3A_32, %dma_wait3A_33] : memref<10000x128xf32, #tpu.memory_space<hbm>> -> memref<10000x128xf32, #tpu.memory_space<hbm>>
      tpu.wait_indirect_dma semaphore(%arg12 : memref<!tpu.dma_semaphore, #tpu.memory_space<semaphore_mem>>) src(%dma_wait3A_34 : memref<10000x128xf32, #tpu.memory_space<hbm>>) dst(%arg9 : memref<80x128xf32, #tpu.memory_space<vmem>>)
      %add3A_35 = arith.constant 1 : i32
      %add3A_36 = arith.addi %mul3A_28, %add3A_35 : i32
      %mul3A_37 = arith.constant 80 : i32
      %mul3A_38 = arith.muli %add3A_36, %mul3A_37 : i32
      %dma_start3A_39 = tpu.memref_slice %arg7[%mul3A_38] : memref<10000xi32, #tpu.memory_space<vmem>> -> memref<80xi32, #tpu.memory_space<vmem>>
      %dma_start3A_40 = arith.constant 0 : i32
      %dma_start3A_41 = arith.constant 0 : i32
      %dma_start3A_42 = tpu.memref_slice %arg2[%dma_start3A_40, %dma_start3A_41] : memref<10000x128xf32, #tpu.memory_space<hbm>> -> memref<10000x128xf32, #tpu.memory_space<hbm>>
      tpu.enqueue_indirect_dma source(%dma_start3A_42 : memref<10000x128xf32, #tpu.memory_space<hbm>>) target(%arg10 : memref<80x128xf32, #tpu.memory_space<vmem>>) offsets(%dma_start3A_39 : memref<80xi32, #tpu.memory_space<vmem>>) semaphore(%arg13 : memref<!tpu.dma_semaphore, #tpu.memory_space<semaphore_mem>>)
      "tpu.region"() ({
        %run_scoped3A_61 = tpu.sem_alloc : memref<!tpu.dma_semaphore, #tpu.memory_space<semaphore_mem>>
        %dma_start3A_62 = arith.constant 0 : i32
        %dma_start3A_63 = tpu.memref_slice %arg8[%mul3A_28, %dma_start3A_62] : memref<125x80xi32, #tpu.memory_space<vmem>> -> memref<1x80xi32, #tpu.memory_space<vmem>>
        %dma_start3A_64 = tpu.memref_squeeze %dma_start3A_63 : memref<1x80xi32, #tpu.memory_space<vmem>> -> memref<80xi32, #tpu.memory_space<vmem>>
        %dma_start3A_65 = arith.constant 0 : i32
        %dma_start3A_66 = arith.constant 0 : i32
        %dma_start3A_67 = tpu.memref_slice %arg11[%dma_start3A_65, %dma_start3A_66] : memref<10112x128xf32, #tpu.memory_space<vmem_shared>> -> memref<10112x128xf32, #tpu.memory_space<vmem_shared>>
        tpu.enqueue_indirect_dma source(%arg9 : memref<80x128xf32, #tpu.memory_space<vmem>>) target(%dma_start3A_67 : memref<10112x128xf32, #tpu.memory_space<vmem_shared>>) offsets(%dma_start3A_64 : memref<80xi32, #tpu.memory_space<vmem>>) semaphore(%run_scoped3A_61 : memref<!tpu.dma_semaphore, #tpu.memory_space<semaphore_mem>>) {add = true}
        %dma_wait3A_68 = arith.constant 0 : i32
        %dma_wait3A_69 = tpu.memref_slice %arg8[%mul3A_28, %dma_wait3A_68] : memref<125x80xi32, #tpu.memory_space<vmem>> -> memref<1x80xi32, #tpu.memory_space<vmem>>
        %dma_wait3A_70 = tpu.memref_squeeze %dma_wait3A_69 : memref<1x80xi32, #tpu.memory_space<vmem>> -> memref<80xi32, #tpu.memory_space<vmem>>
        %dma_wait3A_71 = arith.constant 0 : i32
        %dma_wait3A_72 = arith.constant 0 : i32
        %dma_wait3A_73 = tpu.memref_slice %arg11[%dma_wait3A_71, %dma_wait3A_72] : memref<10112x128xf32, #tpu.memory_space<vmem_shared>> -> memref<10112x128xf32, #tpu.memory_space<vmem_shared>>
        tpu.wait_indirect_dma semaphore(%run_scoped3A_61 : memref<!tpu.dma_semaphore, #tpu.memory_space<semaphore_mem>>) src(%arg9 : memref<80x128xf32, #tpu.memory_space<vmem>>) dst(%dma_wait3A_73 : memref<10112x128xf32, #tpu.memory_space<vmem_shared>>)
        tpu.yield
      }) : () -> ()
      %add3A_43 = arith.constant 1 : i32
      %add3A_44 = arith.addi %mul3A_28, %add3A_43 : i32
      %mul3A_45 = arith.constant 80 : i32
      %mul3A_46 = arith.muli %add3A_44, %mul3A_45 : i32
      %dma_wait3A_47 = tpu.memref_slice %arg7[%mul3A_46] : memref<10000xi32, #tpu.memory_space<vmem>> -> memref<80xi32, #tpu.memory_space<vmem>>
      %dma_wait3A_48 = arith.constant 0 : i32
      %dma_wait3A_49 = arith.constant 0 : i32
      %dma_wait3A_50 = tpu.memref_slice %arg2[%dma_wait3A_48, %dma_wait3A_49] : memref<10000x128xf32, #tpu.memory_space<hbm>> -> memref<10000x128xf32, #tpu.memory_space<hbm>>
      tpu.wait_indirect_dma semaphore(%arg13 : memref<!tpu.dma_semaphore, #tpu.memory_space<semaphore_mem>>) src(%dma_wait3A_50 : memref<10000x128xf32, #tpu.memory_space<hbm>>) dst(%arg10 : memref<80x128xf32, #tpu.memory_space<vmem>>)
      %add3A_51 = arith.constant 2 : i32
      %add3A_52 = arith.addi %mul3A_28, %add3A_51 : i32
      %mul3A_53 = arith.constant 80 : i32
      %mul3A_54 = arith.muli %add3A_52, %mul3A_53 : i32
      %dma_start3A_55 = tpu.memref_slice %arg7[%mul3A_54] : memref<10000xi32, #tpu.memory_space<vmem>> -> memref<80xi32, #tpu.memory_space<vmem>>
      %dma_start3A_56 = arith.constant 0 : i32
      %dma_start3A_57 = arith.constant 0 : i32
      %dma_start3A_58 = tpu.memref_slice %arg2[%dma_start3A_56, %dma_start3A_57] : memref<10000x128xf32, #tpu.memory_space<hbm>> -> memref<10000x128xf32, #tpu.memory_space<hbm>>
      tpu.enqueue_indirect_dma source(%dma_start3A_58 : memref<10000x128xf32, #tpu.memory_space<hbm>>) target(%arg9 : memref<80x128xf32, #tpu.memory_space<vmem>>) offsets(%dma_start3A_55 : memref<80xi32, #tpu.memory_space<vmem>>) semaphore(%arg12 : memref<!tpu.dma_semaphore, #tpu.memory_space<semaphore_mem>>)
      %add3A_59 = arith.constant 1 : i32
      %add3A_60 = arith.addi %mul3A_28, %add3A_59 : i32
      "tpu.region"() ({
        %run_scoped3A_61 = tpu.sem_alloc : memref<!tpu.dma_semaphore, #tpu.memory_space<semaphore_mem>>
        %dma_start3A_62 = arith.constant 0 : i32
        %dma_start3A_63 = tpu.memref_slice %arg8[%add3A_60, %dma_start3A_62] : memref<125x80xi32, #tpu.memory_space<vmem>> -> memref<1x80xi32, #tpu.memory_space<vmem>>
        %dma_start3A_64 = tpu.memref_squeeze %dma_start3A_63 : memref<1x80xi32, #tpu.memory_space<vmem>> -> memref<80xi32, #tpu.memory_space<vmem>>
        %dma_start3A_65 = arith.constant 0 : i32
        %dma_start3A_66 = arith.constant 0 : i32
        %dma_start3A_67 = tpu.memref_slice %arg11[%dma_start3A_65, %dma_start3A_66] : memref<10112x128xf32, #tpu.memory_space<vmem_shared>> -> memref<10112x128xf32, #tpu.memory_space<vmem_shared>>
        tpu.enqueue_indirect_dma source(%arg10 : memref<80x128xf32, #tpu.memory_space<vmem>>) target(%dma_start3A_67 : memref<10112x128xf32, #tpu.memory_space<vmem_shared>>) offsets(%dma_start3A_64 : memref<80xi32, #tpu.memory_space<vmem>>) semaphore(%run_scoped3A_61 : memref<!tpu.dma_semaphore, #tpu.memory_space<semaphore_mem>>) {add = true}
        %dma_wait3A_68 = arith.constant 0 : i32
        %dma_wait3A_69 = tpu.memref_slice %arg8[%add3A_60, %dma_wait3A_68] : memref<125x80xi32, #tpu.memory_space<vmem>> -> memref<1x80xi32, #tpu.memory_space<vmem>>
        %dma_wait3A_70 = tpu.memref_squeeze %dma_wait3A_69 : memref<1x80xi32, #tpu.memory_space<vmem>> -> memref<80xi32, #tpu.memory_space<vmem>>
        %dma_wait3A_71 = arith.constant 0 : i32
        %dma_wait3A_72 = arith.constant 0 : i32
        %dma_wait3A_73 = tpu.memref_slice %arg11[%dma_wait3A_71, %dma_wait3A_72] : memref<10112x128xf32, #tpu.memory_space<vmem_shared>> -> memref<10112x128xf32, #tpu.memory_space<vmem_shared>>
        tpu.wait_indirect_dma semaphore(%run_scoped3A_61 : memref<!tpu.dma_semaphore, #tpu.memory_space<semaphore_mem>>) src(%arg10 : memref<80x128xf32, #tpu.memory_space<vmem>>) dst(%dma_wait3A_73 : memref<10112x128xf32, #tpu.memory_space<vmem_shared>>)
        tpu.yield
      }) : () -> ()
    }
    %scan3A_12 = arith.constant 62 : i32
    %dma_wait3A = arith.constant 9920 : i32
    %dma_wait3A_13 = tpu.memref_slice %arg7[%dma_wait3A] : memref<10000xi32, #tpu.memory_space<vmem>> -> memref<80xi32, #tpu.memory_space<vmem>>
    %dma_wait3A_14 = arith.constant 0 : i32
    %dma_wait3A_15 = arith.constant 0 : i32
    %dma_wait3A_16 = tpu.memref_slice %arg2[%dma_wait3A_14, %dma_wait3A_15] : memref<10000x128xf32, #tpu.memory_space<hbm>> -> memref<10000x128xf32, #tpu.memory_space<hbm>>
    tpu.wait_indirect_dma semaphore(%arg12 : memref<!tpu.dma_semaphore, #tpu.memory_space<semaphore_mem>>) src(%dma_wait3A_16 : memref<10000x128xf32, #tpu.memory_space<hbm>>) dst(%arg9 : memref<80x128xf32, #tpu.memory_space<vmem>>)
    %run_scoped3A = arith.constant 124 : i32
    "tpu.region"() ({
      %run_scoped3A_22 = tpu.sem_alloc : memref<!tpu.dma_semaphore, #tpu.memory_space<semaphore_mem>>
      %dma_start3A_23 = arith.constant 0 : i32
      %dma_start3A_24 = tpu.memref_slice %arg8[%run_scoped3A, %dma_start3A_23] : memref<125x80xi32, #tpu.memory_space<vmem>> -> memref<1x80xi32, #tpu.memory_space<vmem>>
      %dma_start3A_25 = tpu.memref_squeeze %dma_start3A_24 : memref<1x80xi32, #tpu.memory_space<vmem>> -> memref<80xi32, #tpu.memory_space<vmem>>
      %dma_start3A_26 = arith.constant 0 : i32
      %dma_start3A_27 = arith.constant 0 : i32
      %dma_start3A_28 = tpu.memref_slice %arg11[%dma_start3A_26, %dma_start3A_27] : memref<10112x128xf32, #tpu.memory_space<vmem_shared>> -> memref<10112x128xf32, #tpu.memory_space<vmem_shared>>
      tpu.enqueue_indirect_dma source(%arg9 : memref<80x128xf32, #tpu.memory_space<vmem>>) target(%dma_start3A_28 : memref<10112x128xf32, #tpu.memory_space<vmem_shared>>) offsets(%dma_start3A_25 : memref<80xi32, #tpu.memory_space<vmem>>) semaphore(%run_scoped3A_22 : memref<!tpu.dma_semaphore, #tpu.memory_space<semaphore_mem>>) {add = true}
      %dma_wait3A_29 = arith.constant 0 : i32
      %dma_wait3A_30 = tpu.memref_slice %arg8[%run_scoped3A, %dma_wait3A_29] : memref<125x80xi32, #tpu.memory_space<vmem>> -> memref<1x80xi32, #tpu.memory_space<vmem>>
      %dma_wait3A_31 = tpu.memref_squeeze %dma_wait3A_30 : memref<1x80xi32, #tpu.memory_space<vmem>> -> memref<80xi32, #tpu.memory_space<vmem>>
      %dma_wait3A_32 = arith.constant 0 : i32
      %dma_wait3A_33 = arith.constant 0 : i32
      %dma_wait3A_34 = tpu.memref_slice %arg11[%dma_wait3A_32, %dma_wait3A_33] : memref<10112x128xf32, #tpu.memory_space<vmem_shared>> -> memref<10112x128xf32, #tpu.memory_space<vmem_shared>>
      tpu.wait_indirect_dma semaphore(%run_scoped3A_22 : memref<!tpu.dma_semaphore, #tpu.memory_space<semaphore_mem>>) src(%arg9 : memref<80x128xf32, #tpu.memory_space<vmem>>) dst(%dma_wait3A_34 : memref<10112x128xf32, #tpu.memory_space<vmem_shared>>)
      tpu.yield
    }) : () -> ()
    %barrier3A_17 = arith.constant 0 : index
    tpu.barrier barrier_id(%barrier3A_17)
    %mul3A_18 = arith.constant 632 : i32
    %mul3A_19 = arith.muli %arg1, %mul3A_18 : i32
    %mul3A_20 = arith.constant 632 : i32
    %mul3A_21 = arith.muli %arg1, %mul3A_20 : i32
    "tpu.region"() ({
      %run_scoped3A_22 = tpu.sem_alloc : memref<!tpu.dma_semaphore, #tpu.memory_space<semaphore_mem>>
      %dma_start3A_23 = arith.constant 0 : i32
      %dma_start3A_24 = tpu.memref_slice %arg6[%arg0, %mul3A_21, %dma_start3A_23] : memref<2x10112x128xf32, #tpu.memory_space<hbm>> -> memref<1x632x128xf32, #tpu.memory_space<hbm>>
      %dma_start3A_25 = tpu.memref_squeeze %dma_start3A_24 : memref<1x632x128xf32, #tpu.memory_space<hbm>> -> memref<632x128xf32, #tpu.memory_space<hbm>>
      %dma_start3A_26 = arith.constant 0 : i32
      %dma_start3A_27 = tpu.memref_slice %arg11[%mul3A_19, %dma_start3A_26] : memref<10112x128xf32, #tpu.memory_space<vmem_shared>> -> memref<632x128xf32, #tpu.memory_space<vmem_shared>>
      tpu.enqueue_dma source(%dma_start3A_27 : memref<632x128xf32, #tpu.memory_space<vmem_shared>>) target(%dma_start3A_25 : memref<632x128xf32, #tpu.memory_space<hbm>>) target_semaphore(%run_scoped3A_22 : memref<!tpu.dma_semaphore, #tpu.memory_space<semaphore_mem>>)
      %dma_wait3A_28 = arith.constant 0 : i32
      %dma_wait3A_29 = tpu.memref_slice %arg6[%arg0, %mul3A_21, %dma_wait3A_28] : memref<2x10112x128xf32, #tpu.memory_space<hbm>> -> memref<1x632x128xf32, #tpu.memory_space<hbm>>
      %dma_wait3A_30 = tpu.memref_squeeze %dma_wait3A_29 : memref<1x632x128xf32, #tpu.memory_space<hbm>> -> memref<632x128xf32, #tpu.memory_space<hbm>>
      %dma_wait3A_31 = arith.constant 0 : i32
      %dma_wait3A_32 = tpu.memref_slice %arg11[%mul3A_19, %dma_wait3A_31] : memref<10112x128xf32, #tpu.memory_space<vmem_shared>> -> memref<632x128xf32, #tpu.memory_space<vmem_shared>>
      tpu.wait_dma2 semaphore(%run_scoped3A_22 : memref<!tpu.dma_semaphore, #tpu.memory_space<semaphore_mem>>) src(%dma_wait3A_32 : memref<632x128xf32, #tpu.memory_space<vmem_shared>>) dst(%dma_wait3A_30 : memref<632x128xf32, #tpu.memory_space<hbm>>)
      tpu.yield
    }) : () -> ()
    return
  }
}

module attributes {stable_mosaic.version = 14 : i64} {
  func.func @_prep_body(%arg0: i32, %arg1: memref<1000x1xf32, #tpu.memory_space<vmem>>, %arg2: memref<1000x1xf32, #tpu.memory_space<vmem>>, %arg3: memref<1000x128xf32, #tpu.memory_space<vmem>>, %arg4: memref<128x128xf32, #tpu.memory_space<vmem>>, %arg5: memref<1000x1xf32, #tpu.memory_space<vmem>>, %arg6: memref<1000x128xf32, #tpu.memory_space<vmem>>) attributes {dimension_semantics = [#tpu.dimension_semantics<arbitrary>], iteration_bounds = array<i64: 10>, scalar_prefetch = 0 : i64, scratch_operands = 0 : i64, tpu.core_type = #tpu.core_type<tc>, window_params = [{transform_indices = @transform_0, window_bounds = array<i64: 1000, 1>}, {transform_indices = @transform_1, window_bounds = array<i64: 1000, 1>}, {transform_indices = @transform_2, window_bounds = array<i64: 1000, 128>}, {pipeline_mode = #tpu.pipeline_mode<synchronous>, transform_indices = @transform_3, window_bounds = array<i64: 128, 128>}, {transform_indices = @transform_4, window_bounds = array<i64: 1000, 1>}, {transform_indices = @transform_5, window_bounds = array<i64: 1000, 128>}]} {
    %get3A = arith.constant 0 : index
    %get3A_0 = arith.constant 0 : index
    %get3A_1 = vector.load %arg1[%get3A, %get3A_0] : memref<1000x1xf32, #tpu.memory_space<vmem>>, vector<1000x1xf32>
    %get3A_2 = arith.constant 0 : index
    %get3A_3 = arith.constant 0 : index
    %get3A_4 = vector.load %arg2[%get3A_2, %get3A_3] : memref<1000x1xf32, #tpu.memory_space<vmem>>, vector<1000x1xf32>
    %add3A = arith.addf %get3A_1, %get3A_4 : vector<1000x1xf32>
    %add3A_5 = arith.constant 1.000000e+00 : f32
    %add3A_6 = vector.broadcast %add3A_5 : f32 to vector<1000x1xf32>
    %add3A_7 = arith.addf %add3A, %add3A_6 : vector<1000x1xf32>
    %rsqrt3A = math.rsqrt %add3A_7 : vector<1000x1xf32>
    %swap3A = arith.constant 0 : index
    %swap3A_8 = arith.constant 0 : index
    %swap3A_9 = vector.load %arg5[%swap3A, %swap3A_8] : memref<1000x1xf32, #tpu.memory_space<vmem>>, vector<1000x1xf32>
    tpu.vector_store %arg5[%swap3A, %swap3A_8], %rsqrt3A {strides = array<i32>} : memref<1000x1xf32, #tpu.memory_space<vmem>>, vector<1000x1xf32>,
    %get3A_10 = arith.constant 0 : index
    %get3A_11 = arith.constant 0 : index
    %get3A_12 = vector.load %arg3[%get3A_10, %get3A_11] : memref<1000x128xf32, #tpu.memory_space<vmem>>, vector<1000x128xf32>
    %get3A_13 = arith.constant 0 : index
    %get3A_14 = arith.constant 0 : index
    %get3A_15 = vector.load %arg4[%get3A_13, %get3A_14] : memref<128x128xf32, #tpu.memory_space<vmem>>, vector<128x128xf32>
    %dot_general3A = arith.constant dense<0.000000e+00> : vector<1000x128xf32>
    %dot_general3A_16 = tpu.matmul %get3A_12, %get3A_15, %dot_general3A {dimension_numbers = #tpu.dot_dimension_numbers<[1], [0], [0], [1], [0, 0, 1, 1], [], []>, transpose_lhs_hint = false} : vector<1000x128xf32>, vector<128x128xf32>, vector<1000x128xf32> -> vector<1000x128xf32>
    %mul3A = vector.broadcast %rsqrt3A : vector<1000x1xf32> to vector<1000x128xf32>
    %mul3A_17 = arith.mulf %mul3A, %dot_general3A_16 : vector<1000x128xf32>
    %swap3A_18 = arith.constant 0 : index
    %swap3A_19 = arith.constant 0 : index
    %swap3A_20 = vector.load %arg6[%swap3A_18, %swap3A_19] : memref<1000x128xf32, #tpu.memory_space<vmem>>, vector<1000x128xf32>
    tpu.vector_store %arg6[%swap3A_18, %swap3A_19], %mul3A_17 {strides = array<i32>} : memref<1000x128xf32, #tpu.memory_space<vmem>>, vector<1000x128xf32>,
    return
  }
  func.func @transform_0(%arg0: i32) -> (i32, i32) {
    %c0_i32 = arith.constant 0 : i32
    %c0_i32_0 = arith.constant 0 : i32
    return %arg0, %c0_i32 : i32, i32
  }
  func.func @transform_1(%arg0: i32) -> (i32, i32) {
    %c0_i32 = arith.constant 0 : i32
    %c0_i32_0 = arith.constant 0 : i32
    return %arg0, %c0_i32 : i32, i32
  }
  func.func @transform_2(%arg0: i32) -> (i32, i32) {
    %c0_i32 = arith.constant 0 : i32
    %c0_i32_0 = arith.constant 0 : i32
    return %arg0, %c0_i32 : i32, i32
  }
  func.func @transform_3(%arg0: i32) -> (i32, i32) {
    %c0_i32 = arith.constant 0 : i32
    %c0_i32_0 = arith.constant 0 : i32
    %c0_i32_1 = arith.constant 0 : i32
    return %c0_i32, %c0_i32_0 : i32, i32
  }
  func.func @transform_4(%arg0: i32) -> (i32, i32) {
    %c0_i32 = arith.constant 0 : i32
    %c0_i32_0 = arith.constant 0 : i32
    return %arg0, %c0_i32 : i32, i32
  }
  func.func @transform_5(%arg0: i32) -> (i32, i32) {
    %c0_i32 = arith.constant 0 : i32
    %c0_i32_0 = arith.constant 0 : i32
    return %arg0, %c0_i32 : i32, i32
  }
}

module attributes {stable_mosaic.version = 14 : i64} {
  func.func @_layer_body(%arg0: i32, %arg1: memref<1000x128xf32, #tpu.memory_space<vmem>>, %arg2: memref<1000x128xf32, #tpu.memory_space<vmem>>, %arg3: memref<1000x128xf32, #tpu.memory_space<vmem>>, %arg4: memref<1000x1xf32, #tpu.memory_space<vmem>>, %arg5: memref<1x128xf32, #tpu.memory_space<vmem>>, %arg6: memref<128x128xf32, #tpu.memory_space<vmem>>, %arg7: memref<1000x128xf32, #tpu.memory_space<vmem>>) attributes {dimension_semantics = [#tpu.dimension_semantics<arbitrary>], iteration_bounds = array<i64: 10>, scalar_prefetch = 0 : i64, scratch_operands = 0 : i64, tpu.core_type = #tpu.core_type<tc>, window_params = [{transform_indices = @transform_0, window_bounds = array<i64: 1000, 128>}, {transform_indices = @transform_1, window_bounds = array<i64: 1000, 128>}, {transform_indices = @transform_2, window_bounds = array<i64: 1000, 128>}, {transform_indices = @transform_3, window_bounds = array<i64: 1000, 1>}, {pipeline_mode = #tpu.pipeline_mode<synchronous>, transform_indices = @transform_4, window_bounds = array<i64: 1, 128>}, {pipeline_mode = #tpu.pipeline_mode<synchronous>, transform_indices = @transform_5, window_bounds = array<i64: 128, 128>}, {transform_indices = @transform_6, window_bounds = array<i64: 1000, 128>}]} {
    %get3A = arith.constant 0 : index
    %get3A_0 = arith.constant 0 : index
    %get3A_1 = vector.load %arg4[%get3A, %get3A_0] : memref<1000x1xf32, #tpu.memory_space<vmem>>, vector<1000x1xf32>
    %get3A_2 = arith.constant 0 : index
    %get3A_3 = arith.constant 0 : index
    %get3A_4 = vector.load %arg1[%get3A_2, %get3A_3] : memref<1000x128xf32, #tpu.memory_space<vmem>>, vector<1000x128xf32>
    %get3A_5 = arith.constant 0 : index
    %get3A_6 = arith.constant 0 : index
    %get3A_7 = vector.load %arg2[%get3A_5, %get3A_6] : memref<1000x128xf32, #tpu.memory_space<vmem>>, vector<1000x128xf32>
    %add3A = arith.addf %get3A_4, %get3A_7 : vector<1000x128xf32>
    %get3A_8 = arith.constant 0 : index
    %get3A_9 = arith.constant 0 : index
    %get3A_10 = vector.load %arg3[%get3A_8, %get3A_9] : memref<1000x128xf32, #tpu.memory_space<vmem>>, vector<1000x128xf32>
    %add3A_11 = arith.addf %add3A, %get3A_10 : vector<1000x128xf32>
    %mul3A = vector.broadcast %get3A_1 : vector<1000x1xf32> to vector<1000x128xf32>
    %mul3A_12 = arith.mulf %mul3A, %add3A_11 : vector<1000x128xf32>
    %get3A_13 = arith.constant 0 : index
    %get3A_14 = arith.constant 0 : index
    %get3A_15 = vector.load %arg5[%get3A_13, %get3A_14] : memref<1x128xf32, #tpu.memory_space<vmem>>, vector<1x128xf32>
    %add3A_16 = vector.broadcast %get3A_15 : vector<1x128xf32> to vector<1000x128xf32>
    %add3A_17 = arith.addf %mul3A_12, %add3A_16 : vector<1000x128xf32>
    %max3A = arith.constant 0.000000e+00 : f32
    %max3A_18 = vector.broadcast %max3A : f32 to vector<1000x128xf32>
    %max3A_19 = arith.maximumf %add3A_17, %max3A_18 : vector<1000x128xf32>
    %get3A_20 = arith.constant 0 : index
    %get3A_21 = arith.constant 0 : index
    %get3A_22 = vector.load %arg4[%get3A_20, %get3A_21] : memref<1000x1xf32, #tpu.memory_space<vmem>>, vector<1000x1xf32>
    %get3A_23 = arith.constant 0 : index
    %get3A_24 = arith.constant 0 : index
    %get3A_25 = vector.load %arg6[%get3A_23, %get3A_24] : memref<128x128xf32, #tpu.memory_space<vmem>>, vector<128x128xf32>
    %dot_general3A = arith.constant dense<0.000000e+00> : vector<1000x128xf32>
    %dot_general3A_26 = tpu.matmul %max3A_19, %get3A_25, %dot_general3A {dimension_numbers = #tpu.dot_dimension_numbers<[1], [0], [0], [1], [0, 0, 1, 1], [], []>, transpose_lhs_hint = false} : vector<1000x128xf32>, vector<128x128xf32>, vector<1000x128xf32> -> vector<1000x128xf32>
    %mul3A_27 = vector.broadcast %get3A_22 : vector<1000x1xf32> to vector<1000x128xf32>
    %mul3A_28 = arith.mulf %mul3A_27, %dot_general3A_26 : vector<1000x128xf32>
    %swap3A = arith.constant 0 : index
    %swap3A_29 = arith.constant 0 : index
    %swap3A_30 = vector.load %arg7[%swap3A, %swap3A_29] : memref<1000x128xf32, #tpu.memory_space<vmem>>, vector<1000x128xf32>
    tpu.vector_store %arg7[%swap3A, %swap3A_29], %mul3A_28 {strides = array<i32>} : memref<1000x128xf32, #tpu.memory_space<vmem>>, vector<1000x128xf32>,
    return
  }
  func.func @transform_0(%arg0: i32) -> (i32, i32) {
    %c0_i32 = arith.constant 0 : i32
    %c0_i32_0 = arith.constant 0 : i32
    return %arg0, %c0_i32 : i32, i32
  }
  func.func @transform_1(%arg0: i32) -> (i32, i32) {
    %c0_i32 = arith.constant 0 : i32
    %c0_i32_0 = arith.constant 0 : i32
    return %arg0, %c0_i32 : i32, i32
  }
  func.func @transform_2(%arg0: i32) -> (i32, i32) {
    %c0_i32 = arith.constant 0 : i32
    %c0_i32_0 = arith.constant 0 : i32
    return %arg0, %c0_i32 : i32, i32
  }
  func.func @transform_3(%arg0: i32) -> (i32, i32) {
    %c0_i32 = arith.constant 0 : i32
    %c0_i32_0 = arith.constant 0 : i32
    return %arg0, %c0_i32 : i32, i32
  }
  func.func @transform_4(%arg0: i32) -> (i32, i32) {
    %c0_i32 = arith.constant 0 : i32
    %c0_i32_0 = arith.constant 0 : i32
    %c0_i32_1 = arith.constant 0 : i32
    return %c0_i32, %c0_i32_0 : i32, i32
  }
  func.func @transform_5(%arg0: i32) -> (i32, i32) {
    %c0_i32 = arith.constant 0 : i32
    %c0_i32_0 = arith.constant 0 : i32
    %c0_i32_1 = arith.constant 0 : i32
    return %c0_i32, %c0_i32_0 : i32, i32
  }
  func.func @transform_6(%arg0: i32) -> (i32, i32) {
    %c0_i32 = arith.constant 0 : i32
    %c0_i32_0 = arith.constant 0 : i32
    return %arg0, %c0_i32 : i32, i32
  }
}

module attributes {stable_mosaic.version = 14 : i64} {
  func.func @_head_body(%arg0: i32, %arg1: memref<1000x128xf32, #tpu.memory_space<vmem>>, %arg2: memref<1000x128xf32, #tpu.memory_space<vmem>>, %arg3: memref<1000x128xf32, #tpu.memory_space<vmem>>, %arg4: memref<1000x1xf32, #tpu.memory_space<vmem>>, %arg5: memref<1x128xf32, #tpu.memory_space<vmem>>, %arg6: memref<1000x1xi32, #tpu.memory_space<vmem>>, %arg7: memref<128x2xf32, #tpu.memory_space<vmem>>, %arg8: memref<1x2xf32, #tpu.memory_space<vmem>>, %arg9: memref<64x2xf32, #tpu.memory_space<vmem>>, %arg10: memref<64x128xf32, #tpu.memory_space<vmem>>, %arg11: memref<64x1xf32, #tpu.memory_space<vmem>>) attributes {dimension_semantics = [#tpu.dimension_semantics<arbitrary>], iteration_bounds = array<i64: 10>, scalar_prefetch = 0 : i64, scratch_operands = 2 : i64, tpu.core_type = #tpu.core_type<tc>, window_params = [{transform_indices = @transform_0, window_bounds = array<i64: 1000, 128>}, {transform_indices = @transform_1, window_bounds = array<i64: 1000, 128>}, {transform_indices = @transform_2, window_bounds = array<i64: 1000, 128>}, {transform_indices = @transform_3, window_bounds = array<i64: 1000, 1>}, {pipeline_mode = #tpu.pipeline_mode<synchronous>, transform_indices = @transform_4, window_bounds = array<i64: 1, 128>}, {transform_indices = @transform_5, window_bounds = array<i64: 1000, 1>}, {pipeline_mode = #tpu.pipeline_mode<synchronous>, transform_indices = @transform_6, window_bounds = array<i64: 128, 2>}, {pipeline_mode = #tpu.pipeline_mode<synchronous>, transform_indices = @transform_7, window_bounds = array<i64: 1, 2>}, {pipeline_mode = #tpu.pipeline_mode<synchronous>, transform_indices = @transform_8, window_bounds = array<i64: 64, 2>}]} {
    %eq3A = arith.constant 0 : i32
    %eq3A_0 = arith.cmpi eq, %arg0, %eq3A : i32
    %convert_element_type3A = arith.extui %eq3A_0 : i1 to i32
    %cond3A = arith.constant 0 : i32
    %cond3A_1 = arith.cmpi ne, %convert_element_type3A, %cond3A : i32
    scf.if %cond3A_1 {
      %broadcast_in_dim3A_51 = arith.constant 0.000000e+00 : f32
      %broadcast_in_dim3A_52 = vector.broadcast %broadcast_in_dim3A_51 : f32 to vector<64x128xf32>
      %swap3A_53 = arith.constant 0 : index
      %swap3A_54 = arith.constant 0 : index
      %swap3A_55 = vector.load %arg10[%swap3A_53, %swap3A_54] : memref<64x128xf32, #tpu.memory_space<vmem>>, vector<64x128xf32>
      tpu.vector_store %arg10[%swap3A_53, %swap3A_54], %broadcast_in_dim3A_52 {strides = array<i32>} : memref<64x128xf32, #tpu.memory_space<vmem>>, vector<64x128xf32>,
      %broadcast_in_dim3A_56 = arith.constant 0.000000e+00 : f32
      %broadcast_in_dim3A_57 = vector.broadcast %broadcast_in_dim3A_56 : f32 to vector<64x1xf32>
      %swap3A_58 = arith.constant 0 : index
      %swap3A_59 = arith.constant 0 : index
      %swap3A_60 = vector.load %arg11[%swap3A_58, %swap3A_59] : memref<64x1xf32, #tpu.memory_space<vmem>>, vector<64x1xf32>
      tpu.vector_store %arg11[%swap3A_58, %swap3A_59], %broadcast_in_dim3A_57 {strides = array<i32>} : memref<64x1xf32, #tpu.memory_space<vmem>>, vector<64x1xf32>,
    } else {
    }
    %get3A = arith.constant 0 : index
    %get3A_2 = arith.constant 0 : index
    %get3A_3 = vector.load %arg4[%get3A, %get3A_2] : memref<1000x1xf32, #tpu.memory_space<vmem>>, vector<1000x1xf32>
    %get3A_4 = arith.constant 0 : index
    %get3A_5 = arith.constant 0 : index
    %get3A_6 = vector.load %arg1[%get3A_4, %get3A_5] : memref<1000x128xf32, #tpu.memory_space<vmem>>, vector<1000x128xf32>
    %get3A_7 = arith.constant 0 : index
    %get3A_8 = arith.constant 0 : index
    %get3A_9 = vector.load %arg2[%get3A_7, %get3A_8] : memref<1000x128xf32, #tpu.memory_space<vmem>>, vector<1000x128xf32>
    %add3A = arith.addf %get3A_6, %get3A_9 : vector<1000x128xf32>
    %get3A_10 = arith.constant 0 : index
    %get3A_11 = arith.constant 0 : index
    %get3A_12 = vector.load %arg3[%get3A_10, %get3A_11] : memref<1000x128xf32, #tpu.memory_space<vmem>>, vector<1000x128xf32>
    %add3A_13 = arith.addf %add3A, %get3A_12 : vector<1000x128xf32>
    %mul3A = vector.broadcast %get3A_3 : vector<1000x1xf32> to vector<1000x128xf32>
    %mul3A_14 = arith.mulf %mul3A, %add3A_13 : vector<1000x128xf32>
    %get3A_15 = arith.constant 0 : index
    %get3A_16 = arith.constant 0 : index
    %get3A_17 = vector.load %arg5[%get3A_15, %get3A_16] : memref<1x128xf32, #tpu.memory_space<vmem>>, vector<1x128xf32>
    %add3A_18 = vector.broadcast %get3A_17 : vector<1x128xf32> to vector<1000x128xf32>
    %add3A_19 = arith.addf %mul3A_14, %add3A_18 : vector<1000x128xf32>
    %max3A = arith.constant 0.000000e+00 : f32
    %max3A_20 = vector.broadcast %max3A : f32 to vector<1000x128xf32>
    %max3A_21 = arith.maximumf %add3A_19, %max3A_20 : vector<1000x128xf32>
    %get3A_22 = arith.constant 0 : index
    %get3A_23 = arith.constant 0 : index
    %get3A_24 = vector.load %arg6[%get3A_22, %get3A_23] : memref<1000x1xi32, #tpu.memory_space<vmem>>, vector<1000x1xi32>
    %iota3A = tpu.iota {dimensions = array<i32: 1>} : vector<1000x64xi32>
    %eq3A_25 = vector.broadcast %get3A_24 : vector<1000x1xi32> to vector<1000x64xi32>
    %eq3A_26 = arith.cmpi eq, %eq3A_25, %iota3A : vector<1000x64xi32>
    %convert_element_type3A_27 = arith.extui %eq3A_26 : vector<1000x64xi1> to vector<1000x64xi32>
    %convert_element_type3A_28 = arith.sitofp %convert_element_type3A_27 : vector<1000x64xi32> to vector<1000x64xf32>
    %get3A_29 = arith.constant 0 : index
    %get3A_30 = arith.constant 0 : index
    %get3A_31 = vector.load %arg10[%get3A_29, %get3A_30] : memref<64x128xf32, #tpu.memory_space<vmem>>, vector<64x128xf32>
    %dot_general3A = arith.constant dense<0.000000e+00> : vector<64x128xf32>
    %dot_general3A_32 = tpu.matmul %convert_element_type3A_28, %max3A_21, %dot_general3A {dimension_numbers = #tpu.dot_dimension_numbers<[0], [0], [1], [1], [0, 1, 1, 1], [], []>, transpose_lhs_hint = false} : vector<1000x64xf32>, vector<1000x128xf32>, vector<64x128xf32> -> vector<64x128xf32>
    %add3A_33 = arith.addf %get3A_31, %dot_general3A_32 : vector<64x128xf32>
    %swap3A = arith.constant 0 : index
    %swap3A_34 = arith.constant 0 : index
    %swap3A_35 = vector.load %arg10[%swap3A, %swap3A_34] : memref<64x128xf32, #tpu.memory_space<vmem>>, vector<64x128xf32>
    tpu.vector_store %arg10[%swap3A, %swap3A_34], %add3A_33 {strides = array<i32>} : memref<64x128xf32, #tpu.memory_space<vmem>>, vector<64x128xf32>,
    %get3A_36 = arith.constant 0 : index
    %get3A_37 = arith.constant 0 : index
    %get3A_38 = vector.load %arg11[%get3A_36, %get3A_37] : memref<64x1xf32, #tpu.memory_space<vmem>>, vector<64x1xf32>
    %broadcast_in_dim3A = arith.constant 1.000000e+00 : f32
    %broadcast_in_dim3A_39 = vector.broadcast %broadcast_in_dim3A : f32 to vector<1000x1xf32>
    %dot_general3A_40 = arith.constant dense<0.000000e+00> : vector<64x1xf32>
    %dot_general3A_41 = tpu.matmul %convert_element_type3A_28, %broadcast_in_dim3A_39, %dot_general3A_40 {dimension_numbers = #tpu.dot_dimension_numbers<[0], [0], [1], [1], [0, 1, 1, 1], [], []>, transpose_lhs_hint = false} : vector<1000x64xf32>, vector<1000x1xf32>, vector<64x1xf32> -> vector<64x1xf32>
    %add3A_42 = arith.addf %get3A_38, %dot_general3A_41 : vector<64x1xf32>
    %swap3A_43 = arith.constant 0 : index
    %swap3A_44 = arith.constant 0 : index
    %swap3A_45 = vector.load %arg11[%swap3A_43, %swap3A_44] : memref<64x1xf32, #tpu.memory_space<vmem>>, vector<64x1xf32>
    tpu.vector_store %arg11[%swap3A_43, %swap3A_44], %add3A_42 {strides = array<i32>} : memref<64x1xf32, #tpu.memory_space<vmem>>, vector<64x1xf32>,
    %eq3A_46 = arith.constant 9 : i32
    %eq3A_47 = arith.cmpi eq, %arg0, %eq3A_46 : i32
    %convert_element_type3A_48 = arith.extui %eq3A_47 : i1 to i32
    %cond3A_49 = arith.constant 0 : i32
    %cond3A_50 = arith.cmpi ne, %convert_element_type3A_48, %cond3A_49 : i32
    scf.if %cond3A_50 {
      %get3A_51 = arith.constant 0 : index
      %get3A_52 = arith.constant 0 : index
      %get3A_53 = vector.load %arg10[%get3A_51, %get3A_52] : memref<64x128xf32, #tpu.memory_space<vmem>>, vector<64x128xf32>
      %get3A_54 = arith.constant 0 : index
      %get3A_55 = arith.constant 0 : index
      %get3A_56 = vector.load %arg11[%get3A_54, %get3A_55] : memref<64x1xf32, #tpu.memory_space<vmem>>, vector<64x1xf32>
      %max3A_57 = arith.constant 1.000000e+00 : f32
      %max3A_58 = vector.broadcast %max3A_57 : f32 to vector<64x1xf32>
      %max3A_59 = arith.maximumf %get3A_56, %max3A_58 : vector<64x1xf32>
      %div3A = vector.broadcast %max3A_59 : vector<64x1xf32> to vector<64x128xf32>
      %div3A_60 = arith.divf %get3A_53, %div3A : vector<64x128xf32>
      %get3A_61 = arith.constant 0 : index
      %get3A_62 = arith.constant 0 : index
      %get3A_63 = vector.load %arg7[%get3A_61, %get3A_62] : memref<128x2xf32, #tpu.memory_space<vmem>>, vector<128x2xf32>
      %dot_general3A_64 = arith.constant dense<0.000000e+00> : vector<64x2xf32>
      %dot_general3A_65 = tpu.matmul %div3A_60, %get3A_63, %dot_general3A_64 {dimension_numbers = #tpu.dot_dimension_numbers<[1], [0], [0], [1], [0, 0, 1, 1], [], []>, transpose_lhs_hint = false} : vector<64x128xf32>, vector<128x2xf32>, vector<64x2xf32> -> vector<64x2xf32>
      %get3A_66 = arith.constant 0 : index
      %get3A_67 = arith.constant 0 : index
      %get3A_68 = vector.load %arg8[%get3A_66, %get3A_67] : memref<1x2xf32, #tpu.memory_space<vmem>>, vector<1x2xf32>
      %add3A_69 = vector.broadcast %get3A_68 : vector<1x2xf32> to vector<64x2xf32>
      %add3A_70 = arith.addf %dot_general3A_65, %add3A_69 : vector<64x2xf32>
      %swap3A_71 = arith.constant 0 : index
      %swap3A_72 = arith.constant 0 : index
      %swap3A_73 = vector.load %arg9[%swap3A_71, %swap3A_72] : memref<64x2xf32, #tpu.memory_space<vmem>>, vector<64x2xf32>
      tpu.vector_store %arg9[%swap3A_71, %swap3A_72], %add3A_70 {strides = array<i32>} : memref<64x2xf32, #tpu.memory_space<vmem>>, vector<64x2xf32>,
    } else {
    }
    return
  }
  func.func @transform_0(%arg0: i32) -> (i32, i32) {
    %c0_i32 = arith.constant 0 : i32
    %c0_i32_0 = arith.constant 0 : i32
    return %arg0, %c0_i32 : i32, i32
  }
  func.func @transform_1(%arg0: i32) -> (i32, i32) {
    %c0_i32 = arith.constant 0 : i32
    %c0_i32_0 = arith.constant 0 : i32
    return %arg0, %c0_i32 : i32, i32
  }
  func.func @transform_2(%arg0: i32) -> (i32, i32) {
    %c0_i32 = arith.constant 0 : i32
    %c0_i32_0 = arith.constant 0 : i32
    return %arg0, %c0_i32 : i32, i32
  }
  func.func @transform_3(%arg0: i32) -> (i32, i32) {
    %c0_i32 = arith.constant 0 : i32
    %c0_i32_0 = arith.constant 0 : i32
    return %arg0, %c0_i32 : i32, i32
  }
  func.func @transform_4(%arg0: i32) -> (i32, i32) {
    %c0_i32 = arith.constant 0 : i32
    %c0_i32_0 = arith.constant 0 : i32
    %c0_i32_1 = arith.constant 0 : i32
    return %c0_i32, %c0_i32_0 : i32, i32
  }
  func.func @transform_5(%arg0: i32) -> (i32, i32) {
    %c0_i32 = arith.constant 0 : i32
    %c0_i32_0 = arith.constant 0 : i32
    return %arg0, %c0_i32 : i32, i32
  }
  func.func @transform_6(%arg0: i32) -> (i32, i32) {
    %c0_i32 = arith.constant 0 : i32
    %c0_i32_0 = arith.constant 0 : i32
    %c0_i32_1 = arith.constant 0 : i32
    return %c0_i32, %c0_i32_0 : i32, i32
  }
  func.func @transform_7(%arg0: i32) -> (i32, i32) {
    %c0_i32 = arith.constant 0 : i32
    %c0_i32_0 = arith.constant 0 : i32
    %c0_i32_1 = arith.constant 0 : i32
    return %c0_i32, %c0_i32_0 : i32, i32
  }
  func.func @transform_8(%arg0: i32) -> (i32, i32) {
    %c0_i32 = arith.constant 0 : i32
    %c0_i32_0 = arith.constant 0 : i32
    %c0_i32_1 = arith.constant 0 : i32
    return %c0_i32, %c0_i32_0 : i32, i32
  }
}

</mosaic_0001>

<sc_bundles>
// kernel: kernel.10.cloned.1.call-start
scs
__scs_entry_jumppad:
0x0: {  	(pc) =	sbr.rel $0x88, $3  }
0x1: {  	(tag) =	ssettag $0x0;
	lr =	simm.s32 $0x1  }
0x2: {  	[smem:$0x3F96] =	sst lr;
	_ =	strace $0xD0000000  }
0x3: {  	_ = 	snop  }
0x4: {  	_ = 	snop  }
0x5: {  	_ = 	snop  }
0x6: {  	_ = 	snop  }
0x7: {  	_ = 	snop  }
__scs_overlays_trampoline_lowered:
0x8: {  	[smem:$0x3FA5] =	sst s0  }
0x9: {  	[smem:$0x3FA6] =	sst s1  }
0xa: {  	[smem:$0x3FA7] =	sst s2  }
0xb: {  	[smem:$0x3FA8] =	sst s3  }
0xc: {  	[smem:$0x3FA9] =	sst s4  }
0xd: {  	[smem:$0x3FAA] =	sst s5  }
0xe: {  	[smem:$0x3FAB] =	sst s6  }
0xf: {  	[smem:$0x3FAC] =	sst s7  }
0x10: {  	[smem:$0x3FAD] =	sst s8  }
0x11: {  	[smem:$0x3FAE] =	sst s9;
	s0 =	simm.s32 @!p0 $0x0  }
0x12: {  	s1 =	sld [smem:$0x3F94];
	s0 =	simm.s32 @p0 $0x1  }
0x13: {  	[smem:$0x3FAF] =	sst s0;
	s0 =	simm.s32 @!p1 $0x0  }
0x14: {  	s2 =	sld [smem:$0x3F93];
	s0 =	simm.s32 @p1 $0x1  }
0x15: {  	[smem:$0x3FB0] =	sst s0;
	s0 =	simm.s32 @!p2 $0x0  }
0x16: {  	s3 =	sld [smem:$0x3FDB];
	s0 =	simm.s32 @p2 $0x1  }
0x17: {  	s4 =	simm.s32 $0x1BF5;
	[smem:$0x3FB2] =	sst s0  }
0x18: {  	s0 =	sld [smem:$0x3F95];
	_ =	swait.ge [sflag:s4], $0x0  }
0x19: {  	s7 =	sld [smem:$0x3F96]  }
0x1a: {  	s8 =	sadd.s32 $0xFFFFE003, lr  }
0x1b: {  	s9 =	sadd.s32 $0xFFFFFEF7, lr;
	s5 =	simm.s32 $0xFFFFFFFF;
	p2 =	slt.u32 s8, $0xFFFFF086  }
0x1c: {  	p1 =	slt.u32 s9, $0xF7A;
	s5 =	simm.s32 @!p2 $0x0  }
0x1d: {  	s5 =	simm.s32 @p1 $0x1;
	p0 =	seq.s32 s7, s2  }
0x1e: {  	s7 =	smul.u32 @!p0 $0xF7A, s2;
	p2 =	seq.s32 @!p0 s5, $0x0  }
0x1f: {  	s9 =	smul.u32 $0xF7A, s1;
	s8 =	simm.s32 @!p0 $0x1BF5;
	p2 =	por !p2, p0  }
0x20: {  	[sflag:s8] =	ssyncset.s32 @!p0 $0xFFFFF086;
	s6 =	sadd.s32 @!p0 s3, s7;
	s7 =	simm.s32 @!p0 $0x108  }
0x21: {  	s3 =	sadd.s32 s3, s9;
	s6 =	sadd.s32 @!p0 $0x88, s6;
	s7 =	simm.s32 @p2 $0x1082  }
0x22: {  	[simem:s7], [sflag:s8] =	dma.local @!p0 [hbm:s6], $0xF7A  }
0x23: {  	s9 =	sor.u32 $0xD0000000, s2;
	s6 =	simm.s32 $0x108;
	_ =	swait.ge @!p0 [sflag:s8], $0x0  }
0x24: {  	s3 =	sadd.s32 $0x88, s3;
	s6 =	simm.s32 @!p1 $0x1082;
	[sflag:s4] =	ssyncset.s32 $0xFFFFF086  }
0x25: {  	[simem:s6], [sflag:s4] =	dma.local [hbm:s3], $0xF7A  }
0x26: {  	[smem:$0x3F96] =	sst s1;
	(tag) =	ssettag s2;
	_ =	strace s9  }
0x27: {  	s1 =	sld [smem:$0x3FA6]  }
0x28: {  	s2 =	sld [smem:$0x3FA7]  }
0x29: {  	s4 =	sld [smem:$0x3FA9]  }
0x2a: {  	p0 =	seq.s32 s5, $0x0;
	s5 =	sld [smem:$0x3FAA]  }
0x2b: {  	s6 =	sld [smem:$0x3FAB]  }
0x2c: {  	s7 =	sld [smem:$0x3FAC]  }
0x2d: {  	s3 =	simm.s32 $0x108;
	s8 =	sld [smem:$0x3FAD]  }
0x2e: {  	s3 =	simm.s32 @!p0 $0x1082;
	s9 =	sld [smem:$0x3FAE]  }
0x2f: {  	lr =	sadd.s32 s0, s3;
	s0 =	sld [smem:$0x3FA5]  }
0x30: {  	s3 =	sld [smem:$0x3FA8]  }
0x31: {  	[smem:$0x3FB1] =	sst s10  }
0x32: {  	s10 =	sld [smem:$0x3FAF];
	_ =	sdelay $0x3  }
0x33: {  	p0 =	seq.s32 s10, $0x1;
	s10 =	sld [smem:$0x3FB1];
	_ =	sdelay $0x3  }
0x34: {  	[smem:$0x3FB1] =	sst s10  }
0x35: {  	s10 =	sld [smem:$0x3FB0];
	_ =	sdelay $0x3  }
0x36: {  	p1 =	seq.s32 s10, $0x1;
	s10 =	sld [smem:$0x3FB1];
	_ =	sdelay $0x3  }
0x37: {  	[smem:$0x3FB1] =	sst s10  }
0x38: {  	s10 =	sld [smem:$0x3FB2]  }
0x39: {  	_ = 	snop;
	(pc) =	sbr.ind lr, $3  }
0x3a: {  	_ = 	snop  }
0x3b: {  	_ = 	snop  }
0x3c: {  	p2 =	seq.s32 s10, $0x1;
	s10 =	sld [smem:$0x3FB1]  }
0x3d: {  	_ =	shalt  }
0x3e: {  	_ =	shalt  }
0x3f: {  	_ =	shalt  }
0x40: {  	_ =	shalt  }
0x41: {  	_ =	shalt  }
0x42: {  	_ =	shalt  }
0x43: {  	_ =	shalt  }
0x44: {  	_ =	shalt  }
0x45: {  	_ =	shalt  }
0x46: {  	_ =	shalt  }
0x47: {  	_ =	shalt  }
0x48: {  	_ =	shalt  }
0x49: {  	_ =	shalt  }
0x4a: {  	_ =	shalt  }
0x4b: {  	_ =	shalt  }
0x4c: {  	_ =	shalt  }
0x4d: {  	_ =	shalt  }
0x4e: {  	_ =	shalt  }
0x4f: {  	_ =	shalt  }
0x50: {  	_ =	shalt  }
0x51: {  	_ =	shalt  }
0x52: {  	_ =	shalt  }
0x53: {  	_ =	shalt  }
0x54: {  	_ =	shalt  }
0x55: {  	_ =	shalt  }
0x56: {  	_ =	shalt  }
0x57: {  	_ =	shalt  }
0x58: {  	_ =	shalt  }
0x59: {  	_ =	shalt  }
0x5a: {  	_ =	shalt  }
0x5b: {  	_ =	shalt  }
0x5c: {  	_ =	shalt  }
0x5d: {  	_ =	shalt  }
0x5e: {  	_ =	shalt  }
0x5f: {  	_ =	shalt  }
0x60: {  	_ =	shalt  }
0x61: {  	_ =	shalt  }
0x62: {  	_ =	shalt  }
0x63: {  	_ =	shalt  }
0x64: {  	_ =	shalt  }
0x65: {  	_ =	shalt  }
0x66: {  	_ =	shalt  }
0x67: {  	_ =	shalt  }
0x68: {  	_ =	shalt  }
0x69: {  	_ =	shalt  }
0x6a: {  	_ =	shalt  }
0x6b: {  	_ =	shalt  }
0x6c: {  	_ =	shalt  }
0x6d: {  	_ =	shalt  }
0x6e: {  	_ =	shalt  }
0x6f: {  	_ =	shalt  }
0x70: {  	_ =	shalt  }
0x71: {  	_ =	shalt  }
0x72: {  	_ =	shalt  }
0x73: {  	_ =	shalt  }
0x74: {  	_ =	shalt  }
0x75: {  	_ =	shalt  }
0x76: {  	_ =	shalt  }
0x77: {  	_ =	shalt  }
0x78: {  	_ =	shalt  }
0x79: {  	_ =	shalt  }
0x7a: {  	_ =	shalt  }
0x7b: {  	_ =	shalt  }
0x7c: {  	_ =	shalt  }
0x7d: {  	_ =	shalt  }
0x7e: {  	_ =	shalt  }
0x7f: {  	_ =	shalt  }
0x80: {  	_ =	shalt  }
0x81: {  	_ =	shalt  }
0x82: {  	_ =	shalt  }
0x83: {  	_ =	shalt  }
0x84: {  	_ =	shalt  }
0x85: {  	_ =	shalt  }
0x86: {  	_ =	shalt  }
0x87: {  	_ =	shalt  }
.Lfunc_end0:
.L_simem_size_0:
called_computation_lowered:
.L_overlay_start_0:
0x88: {  	s2 =	sld [smem:$0x3FD9]  }
0x89: {  	s3 =	sld [smem:$0x3FFE];
	_ =	sdelay $0x1  }
0x8a: {  	s1 =	srdreg.scid  }
0x8b: {  	s0 =	sand.u32 $0x1, s1  }
0x8c: {  	s17 =	sshll.u32 s0, $0xA;
	s2 =	sadd.s32 s3, s2  }
0x8d: {  	s2 =	sadd.s32 s2, s17  }
0x8e: {  	[smem:$0x3FBD] =	sst s2  }
0x8f: {  	_ = 	snop  }
0x90: {  	s2 =	sld [smem:$0x3FD0];
	(tm) =	ssettm $0x1  }
0x91: {  	s18 =	sld [smem:$0x3FFB];
	_ =	sdelay $0x3  }
0x92: {  	_ =	strace s18  }
0x93: {  	s3 =	sld [smem:$0x3FFC];
	_ =	sdelay $0x3  }
0x94: {  	_ =	strace s3  }
0x95: {  	s3 =	sld [smem:$0x3FFD];
	_ =	sdelay $0x3  }
0x96: {  	_ =	strace s3  }
0x97: {  	_ =	strace $0x8FFFFFFF  }
0x98: {  	s19 =	sld [smem:$0x3FDB];
	_ =	sdelay $0x1  }
0x99: {  	s4 =	simm.s32 $_scs_section_size  }
0x9a: {  	s5 =	simm.s32 $_size__tile_overlayer_lowered;
	s6 =	simm.s32 $_tile_overlayer_lowered  }
0x9b: {  	s22 =	simm.s32 $0x1BFF;
	s21 =	sshll.u32 s6, $0x1;
	s3 =	sadd.s32 s4, s19  }
0x9c: {  	s7 =	simm.s32 $0x0;
	s20 =	sshll.u32 s5, $0x1;
	s5 =	sadd.s32 s21, s3  }
0x9d: {  	[timem:s7], [sflag:s22] =	dma.local [hbm:s5], s20  }
0x9e: {  	_ =	swait.ge [sflag:s22], s20  }
0x9f: {  	s4 =	ssub.s32 $0x0, s20;
	[sflag:s22] =	ssyncset.done $0x0  }
0xa0: {  	[sflag:s22] =	ssyncadd.s32 s4;
	_ =	sdelay $0x1  }
0xa1: {  	s23 =	simm.s32 $0x1B8B  }
0xa2: {  	_ =	swait.ge [sflag:s23], $0x1  }
0xa3: {  	[sflag:s23] =	ssyncset.done $0x0  }
0xa4: {  	s25 =	simm.s32 $0x1B8E;
	s24 =	sld [smem:$0x3FFE];
	[sflag:s23] =	ssyncadd.s32 $0xFFFFFFFF  }
0xa5: {  	s26 =	simm.s32 $execute0_lowered;
	[smem:$0x3FD2] =	sst s25  }
0xa6: {  	s5 =	sshll.u32 s26, $0x1;
	_ =	strace $0x80000046;
	[dreg:$0x1] =	wrdreg $0xFFFFFFFF  }
0xa7: {  	s28 =	simm.s32 $_size_execute0_lowered;
	s3 =	sadd.s32 s3, s5;
	[dreg:$0x0] =	wrdreg $0x0  }
0xa8: {  	s5 =	sshll.u32 s28, $0x1;
	[dreg:$0x2] =	wrdreg s3  }
0xa9: {  	[dreg:$0x3] =	wrdreg s5  }
0xaa: {  	[dreg:$0x4] =	wrdreg $0xC0  }
0xab: {  	_ =	task [dreg:s7], $0x5FFFF  }
0xac: {  	[dreg:$0x1] =	wrdreg $0xFFFFFFFF  }
0xad: {  	[dreg:$0x0] =	wrdreg $0x60  }
0xae: {  	[dreg:$0x2] =	wrdreg s24  }
0xaf: {  	[dreg:$0x3] =	wrdreg s2  }
0xb0: {  	[dreg:$0x4] =	wrdreg $0x40800  }
0xb1: {  	[dreg:$0x5] =	wrdreg $0x9  }
0xb2: {  	_ =	task.clear_ibuf [dreg:s7], $0x6FFFF;
	_ =	strace $0x90000046  }
0xb3: {  	s29 =	simm.s32 $0x9;
	_ =	strace $0x80000048  }
0xb4: {  	_ =	swait.ge [sflag:s29], $0x1  }
0xb5: {  	[sflag:s29] =	ssyncadd.s32 $0xFFFFFFFF  }
0xb6: {  	_ =	strace $0x90000048  }
0xb7: {  	_ =	sfence  }
0xb8: {  	s30 =	sld [smem:$0x0];
	_ =	sdelay $0x2  }
0xb9: {  	s31 =	sshll.u32 s1, $0xD;
	s1 =	sshrl.u32 s1, $0x2  }
0xba: {  	s3 =	sand.u32 $0x4000, s31;
	s1 =	sadd.s32 s1, s30  }
0xbb: {  	s0 =	sor.u32 s3, s0;
	s1 =	sshll.u32 s1, $0x11  }
0xbc: {  	s0 =	sor.u32 s1, s0  }
0xbd: {  	s0 =	sadd.s32 $0x8F2B, s0  }
0xbe: {  	[sflag:s0] =	ssyncadd.remote.s32 $0x1  }
0xbf: {  	_ =	sfence.sel $0xFFFF  }
0xc0: {  	[dreg:$0x0] =	wrdreg $0xFFFFFFFF;
	(pc) =	sbr.abs _section_cstart, $3  }
0xc1: {  	[dreg:$0x1] =	wrdreg $0xFFFFFFFF  }
0xc2: {  	_ =	task.clear_ibuf [dreg:s7], $0x2FFFF;
	_ =	strace $0x9FFFFFFF  }
0xc3: {  	(tm) =	ssettm $0x7FFFFFFF  }
tec
execute0_lowered:
.L_overlay_start_1:
0x0: {  	(tag) =	ssettag $0x1  }
0x1: {  	s5 =	rddreg [dreg:$0x0]  }
0x2: {  	s1 =	rddreg [dreg:$0x1]  }
0x3: {  	s3 =	rddreg [dreg:$0x2]  }
0x4: {  	s0 =	rddreg [dreg:$0x3];
	s4 =	simm.s32 $0x0;
	s2 =	stileid.u32  }
0x5: {  	s7 =	srdreg.scid;
	s13 =	simm.s32 $0x50;
	s14 =	simm.s32 $0x20  }
0x6: {  	s15 =	simm.s32 $0x10;
	s16 =	simm.s32 $0x0;
	[smem:$0x7FF] =	sst s4  }
0x7: {  	s6 =	smul.u32 $0x280, s2;
	s8 =	sshll.u32 s2, $0xB;
	s7 =	sand.u32 $0x1, s7  }
0x8: {  	s9 =	smul.u32 $0x500, s2;
	s31 =	sshll.u32 s2, $0x6;
	_ =	strace $0x80000047  }
0x9: {  	s8 =	sadd.s32 s8, s5;
	s10 =	sshll.u32 s7, $0x7;
	s28 =	ssub.s32 $0x2, s7  }
0xa: {  	s29 =	sshll.u32 s7, $0xF;
	s11 =	sshrl.u32 s6, $0x3;
	s9 =	sor.u32 s10, s9  }
0xb: {  	s12 =	sshrl.u32 s28, $0x1;
	s30 =	sadd.s32 s6, s3;
	s7 =	sadd.s32 s29, s8  }
0xc: {  	s6 =	sor.u32 $0x1C01, s31;
	s11 =	sadd.s32 s11, s5;
	s9 =	sshrl.u32 s9, $0x3  }
0xd: {  	s10 =	ssub.s32 s28, s12;
	s7 =	sadd.s32 $0x4200, s7;
	s12 =	simm.s32 $0x4000  }
0xe: {  	s9 =	sadd.s32 s9, s5;
	s5 =	sadd.s32 $0x14200, s11;
	s11 =	simm.s32 $0x1  }
0xf: {  	s8 =	sadd.s32 $0x14800, s9;
	s9 =	smax.u32 s10, $0x1;
	s10 =	sshrl.u32 s30, $0x3  }
.LBB2_1:
0x10: {  	[spmem:s10], [sflag:s6] =	dma.local [hbm:s5], $0x50  }
0x11: {  	_ =	swait.ge [sflag:s11], $0x50  }
0x12: {  	[sflag:s11] =	ssyncset.done $0x0  }
0x13: {  	[sflag:s11] =	ssyncadd.s32 $0xFFFFFFB0  }
0x14: {  	[tilespmem:s12], [sflag:$0x1] =	stream.linear.gather [hbm4b:s1+s4], $0x80, $0x38;
	[tilespmem:$0x4300] =	vst v63  }
0x15: {  	_ =	swait.ge [sflag:s11], $0x80  }
0x16: {  	[sflag:s11] =	ssyncset.done $0x0  }
0x17: {  	[sflag:s11] =	ssyncadd.s32 $0xFFFFFF80  }
0x18: {  	[tilespmem:s4], [sflag:$0x1] =	stream.linear.gather [hbm4b:s7+s4], $0x3E80, $0x38;
	[tilespmem:$0x4300] =	vst v63  }
0x19: {  	_ =	swait.ge [sflag:s11], $0x3E80  }
0x1a: {  	[sflag:s11] =	ssyncset.done $0x0  }
0x1b: {  	[sflag:s11] =	ssyncadd.s32 $0xFFFFC180  }
0x1c: {  	s17 =	simm.s32 $0x0;
	[bflag:$0x0] =	sbarrier.arrive $0xFFFF  }
0x1d: {  	[spmem:s3] =	stream.indirect.scatter.add.f32 [tilespmem:s12], [sflag:$0x1], $0x1, s17, s13, $0xb8;
	[tilespmem:$0x4300] =	vst v63  }
0x1e: {  	_ =	swait.ge [sflag:s11], $0x50  }
0x1f: {  	s17 =	simm.s32 $0x200;
	[sflag:s11] =	ssyncset.done $0x0  }
.LBB2_2:
0x20: {  	s18 =	sshra.s32 s17, $0x2;
	[sflag:s11] =	ssyncadd.s32 $0xFFFFFFB0;
	p0 =	sne.s32 s17, $0xF800  }
0x21: {  	[spmem:s3] =	stream.indirect.scatter.add.f32 [tilespmem:s12], [sflag:$0x1], $0x1, s18, s13, $0xb8;
	[tilespmem:$0x4300] =	vst v63  }
.Ltmp0:
0x22: {  	_ = 	snop;
	(pc) =	sbr.rel @p0 .LBB2_2-.Ltmp0, $4  }
0x23: {  	_ = 	snop  }
0x24: {  	s17 =	sadd.s32 $0x200, s17  }
0x25: {  	_ =	swait.ge [sflag:s11], $0x50  }
0x26: {  	[sflag:s11] =	ssyncset.done $0x0  }
0x27: {  	s16 =	sadd.s32 $0x1, s16  }
0x28: {  	[sflag:s11] =	ssyncadd.s32 $0xFFFFFFB0;
	p0 =	sne.s32 s16, s9  }
.Ltmp1:
0x29: {  	[bflag:$0x0] =	sbarrier.arrive $0xFFFF;
	(pc) =	sbr.rel @p0 .LBB2_1-.Ltmp1, $4  }
0x2a: {  	[hbm:s8@s14], [sflag:s6] =	dma.strided [spmem:s10@s15], $0x50, s11, $0x10   }
0x2b: {  	_ =	swait.ge [sflag:s11], $0x50  }
0x2c: {  	[sflag:s11] =	ssyncset.done $0x0  }
0x2d: {  	[sflag:s11] =	ssyncadd.s32 $0xFFFFFFB0  }
0x2e: {  	_ =	sfence.sel $0x180000  }
0x2f: {  	[bflag:$0x0] =	sbarrier.arrive $0xFFFF  }
0x30: {  	p0 =	sne.s32 s2, $0x0;
	_ =	strace $0x90000047  }
0x31: {  	s0 =	sadd.s32 @!p0 $0x100000, s0;
	[bflag:$0x2] =	sbarrier.arrive $0xFFFF  }
0x32: {  	[sflag:s0] =	ssyncadd.tile.s32 @!p0 $0x1;
	_ =	shalt  }
.Lfunc_end2:
_tile_overlayer_lowered:
.L_overlay_start_2:
0x33: {  	(tag) =	ssettag $0x2  }
0x34: {  	s0 =	rddreg [dreg:$0x0];
	s2 =	stileid.u32  }
0x35: {  	s1 =	rddreg [dreg:$0x1];
	p0 =	sne.s32 s2, $0x0  }
0x36: {  	s3 =	rddreg [dreg:$0x2];
	[bflag:$0x3] =	sbarrier.arrive $0xFFFF;
	s2 =	simm.s32 @!p0 $0x1C01  }
0x37: {  	[timem:s3], [sflag:s2] =	dma.local @!p0 [hbm:s0], s1  }
0x38: {  	s0 =	simm.s32 @!p0 $0x1  }
0x39: {  	_ =	swait.ge @!p0 [sflag:s0], s1  }
0x3a: {  	s1 =	ssub.s32 @!p0 $0x0, s1;
	[sflag:s0] =	ssyncset.done @!p0 $0x0  }
0x3b: {  	[sflag:s0] =	ssyncadd.s32 @!p0 s1  }
0x3c: {  	[bflag:$0x3] =	sbarrier.arrive $0xFFFF  }
0x3d: {  	_ =	shalt  }

// kernel: kernel.13.cloned.1.call-start
scs
__scs_entry_jumppad:
0x0: {  	(pc) =	sbr.rel $0x88, $3  }
0x1: {  	(tag) =	ssettag $0x0;
	lr =	simm.s32 $0x1  }
0x2: {  	[smem:$0x3F96] =	sst lr;
	_ =	strace $0xD0000000  }
0x3: {  	_ = 	snop  }
0x4: {  	_ = 	snop  }
0x5: {  	_ = 	snop  }
0x6: {  	_ = 	snop  }
0x7: {  	_ = 	snop  }
__scs_overlays_trampoline_lowered:
0x8: {  	[smem:$0x3FA5] =	sst s0  }
0x9: {  	[smem:$0x3FA6] =	sst s1  }
0xa: {  	[smem:$0x3FA7] =	sst s2  }
0xb: {  	[smem:$0x3FA8] =	sst s3  }
0xc: {  	[smem:$0x3FA9] =	sst s4  }
0xd: {  	[smem:$0x3FAA] =	sst s5  }
0xe: {  	[smem:$0x3FAB] =	sst s6  }
0xf: {  	[smem:$0x3FAC] =	sst s7  }
0x10: {  	[smem:$0x3FAD] =	sst s8  }
0x11: {  	[smem:$0x3FAE] =	sst s9;
	s0 =	simm.s32 @!p0 $0x0  }
0x12: {  	s1 =	sld [smem:$0x3F94];
	s0 =	simm.s32 @p0 $0x1  }
0x13: {  	[smem:$0x3FAF] =	sst s0;
	s0 =	simm.s32 @!p1 $0x0  }
0x14: {  	s2 =	sld [smem:$0x3F93];
	s0 =	simm.s32 @p1 $0x1  }
0x15: {  	[smem:$0x3FB0] =	sst s0;
	s0 =	simm.s32 @!p2 $0x0  }
0x16: {  	s3 =	sld [smem:$0x3FDB];
	s0 =	simm.s32 @p2 $0x1  }
0x17: {  	s4 =	simm.s32 $0x1BF5;
	[smem:$0x3FB2] =	sst s0  }
0x18: {  	s0 =	sld [smem:$0x3F95];
	_ =	swait.ge [sflag:s4], $0x0  }
0x19: {  	s7 =	sld [smem:$0x3F96]  }
0x1a: {  	s8 =	sadd.s32 $0xFFFFE003, lr  }
0x1b: {  	s9 =	sadd.s32 $0xFFFFFEF7, lr;
	s5 =	simm.s32 $0xFFFFFFFF;
	p2 =	slt.u32 s8, $0xFFFFF086  }
0x1c: {  	p1 =	slt.u32 s9, $0xF7A;
	s5 =	simm.s32 @!p2 $0x0  }
0x1d: {  	s5 =	simm.s32 @p1 $0x1;
	p0 =	seq.s32 s7, s2  }
0x1e: {  	s7 =	smul.u32 @!p0 $0xF7A, s2;
	p2 =	seq.s32 @!p0 s5, $0x0  }
0x1f: {  	s9 =	smul.u32 $0xF7A, s1;
	s8 =	simm.s32 @!p0 $0x1BF5;
	p2 =	por !p2, p0  }
0x20: {  	[sflag:s8] =	ssyncset.s32 @!p0 $0xFFFFF086;
	s6 =	sadd.s32 @!p0 s3, s7;
	s7 =	simm.s32 @!p0 $0x108  }
0x21: {  	s3 =	sadd.s32 s3, s9;
	s6 =	sadd.s32 @!p0 $0x88, s6;
	s7 =	simm.s32 @p2 $0x1082  }
0x22: {  	[simem:s7], [sflag:s8] =	dma.local @!p0 [hbm:s6], $0xF7A  }
0x23: {  	s9 =	sor.u32 $0xD0000000, s2;
	s6 =	simm.s32 $0x108;
	_ =	swait.ge @!p0 [sflag:s8], $0x0  }
0x24: {  	s3 =	sadd.s32 $0x88, s3;
	s6 =	simm.s32 @!p1 $0x1082;
	[sflag:s4] =	ssyncset.s32 $0xFFFFF086  }
0x25: {  	[simem:s6], [sflag:s4] =	dma.local [hbm:s3], $0xF7A  }
0x26: {  	[smem:$0x3F96] =	sst s1;
	(tag) =	ssettag s2;
	_ =	strace s9  }
0x27: {  	s1 =	sld [smem:$0x3FA6]  }
0x28: {  	s2 =	sld [smem:$0x3FA7]  }
0x29: {  	s4 =	sld [smem:$0x3FA9]  }
0x2a: {  	p0 =	seq.s32 s5, $0x0;
	s5 =	sld [smem:$0x3FAA]  }
0x2b: {  	s6 =	sld [smem:$0x3FAB]  }
0x2c: {  	s7 =	sld [smem:$0x3FAC]  }
0x2d: {  	s3 =	simm.s32 $0x108;
	s8 =	sld [smem:$0x3FAD]  }
0x2e: {  	s3 =	simm.s32 @!p0 $0x1082;
	s9 =	sld [smem:$0x3FAE]  }
0x2f: {  	lr =	sadd.s32 s0, s3;
	s0 =	sld [smem:$0x3FA5]  }
0x30: {  	s3 =	sld [smem:$0x3FA8]  }
0x31: {  	[smem:$0x3FB1] =	sst s10  }
0x32: {  	s10 =	sld [smem:$0x3FAF];
	_ =	sdelay $0x3  }
0x33: {  	p0 =	seq.s32 s10, $0x1;
	s10 =	sld [smem:$0x3FB1];
	_ =	sdelay $0x3  }
0x34: {  	[smem:$0x3FB1] =	sst s10  }
0x35: {  	s10 =	sld [smem:$0x3FB0];
	_ =	sdelay $0x3  }
0x36: {  	p1 =	seq.s32 s10, $0x1;
	s10 =	sld [smem:$0x3FB1];
	_ =	sdelay $0x3  }
0x37: {  	[smem:$0x3FB1] =	sst s10  }
0x38: {  	s10 =	sld [smem:$0x3FB2]  }
0x39: {  	_ = 	snop;
	(pc) =	sbr.ind lr, $3  }
0x3a: {  	_ = 	snop  }
0x3b: {  	_ = 	snop  }
0x3c: {  	p2 =	seq.s32 s10, $0x1;
	s10 =	sld [smem:$0x3FB1]  }
0x3d: {  	_ =	shalt  }
0x3e: {  	_ =	shalt  }
0x3f: {  	_ =	shalt  }
0x40: {  	_ =	shalt  }
0x41: {  	_ =	shalt  }
0x42: {  	_ =	shalt  }
0x43: {  	_ =	shalt  }
0x44: {  	_ =	shalt  }
0x45: {  	_ =	shalt  }
0x46: {  	_ =	shalt  }
0x47: {  	_ =	shalt  }
0x48: {  	_ =	shalt  }
0x49: {  	_ =	shalt  }
0x4a: {  	_ =	shalt  }
0x4b: {  	_ =	shalt  }
0x4c: {  	_ =	shalt  }
0x4d: {  	_ =	shalt  }
0x4e: {  	_ =	shalt  }
0x4f: {  	_ =	shalt  }
0x50: {  	_ =	shalt  }
0x51: {  	_ =	shalt  }
0x52: {  	_ =	shalt  }
0x53: {  	_ =	shalt  }
0x54: {  	_ =	shalt  }
0x55: {  	_ =	shalt  }
0x56: {  	_ =	shalt  }
0x57: {  	_ =	shalt  }
0x58: {  	_ =	shalt  }
0x59: {  	_ =	shalt  }
0x5a: {  	_ =	shalt  }
0x5b: {  	_ =	shalt  }
0x5c: {  	_ =	shalt  }
0x5d: {  	_ =	shalt  }
0x5e: {  	_ =	shalt  }
0x5f: {  	_ =	shalt  }
0x60: {  	_ =	shalt  }
0x61: {  	_ =	shalt  }
0x62: {  	_ =	shalt  }
0x63: {  	_ =	shalt  }
0x64: {  	_ =	shalt  }
0x65: {  	_ =	shalt  }
0x66: {  	_ =	shalt  }
0x67: {  	_ =	shalt  }
0x68: {  	_ =	shalt  }
0x69: {  	_ =	shalt  }
0x6a: {  	_ =	shalt  }
0x6b: {  	_ =	shalt  }
0x6c: {  	_ =	shalt  }
0x6d: {  	_ =	shalt  }
0x6e: {  	_ =	shalt  }
0x6f: {  	_ =	shalt  }
0x70: {  	_ =	shalt  }
0x71: {  	_ =	shalt  }
0x72: {  	_ =	shalt  }
0x73: {  	_ =	shalt  }
0x74: {  	_ =	shalt  }
0x75: {  	_ =	shalt  }
0x76: {  	_ =	shalt  }
0x77: {  	_ =	shalt  }
0x78: {  	_ =	shalt  }
0x79: {  	_ =	shalt  }
0x7a: {  	_ =	shalt  }
0x7b: {  	_ =	shalt  }
0x7c: {  	_ =	shalt  }
0x7d: {  	_ =	shalt  }
0x7e: {  	_ =	shalt  }
0x7f: {  	_ =	shalt  }
0x80: {  	_ =	shalt  }
0x81: {  	_ =	shalt  }
0x82: {  	_ =	shalt  }
0x83: {  	_ =	shalt  }
0x84: {  	_ =	shalt  }
0x85: {  	_ =	shalt  }
0x86: {  	_ =	shalt  }
0x87: {  	_ =	shalt  }
.Lfunc_end0:
.L_simem_size_0:
called_computation.1_lowered:
.L_overlay_start_0:
0x88: {  	s2 =	sld [smem:$0x3FD9]  }
0x89: {  	s3 =	sld [smem:$0x3FFE];
	_ =	sdelay $0x1  }
0x8a: {  	s1 =	srdreg.scid  }
0x8b: {  	s0 =	sand.u32 $0x1, s1  }
0x8c: {  	s16 =	sshll.u32 s0, $0xA;
	s2 =	sadd.s32 s3, s2  }
0x8d: {  	s2 =	sadd.s32 s2, s16  }
0x8e: {  	[smem:$0x3FBD] =	sst s2  }
0x8f: {  	_ = 	snop  }
0x90: {  	(tm) =	ssettm $0x1  }
0x91: {  	s17 =	sld [smem:$0x3FFB];
	_ =	sdelay $0x3  }
0x92: {  	_ =	strace s17  }
0x93: {  	s2 =	sld [smem:$0x3FFC];
	_ =	sdelay $0x3  }
0x94: {  	_ =	strace s2  }
0x95: {  	s2 =	sld [smem:$0x3FFD];
	_ =	sdelay $0x3  }
0x96: {  	_ =	strace s2  }
0x97: {  	_ =	strace $0x8FFFFFFF  }
0x98: {  	s18 =	sld [smem:$0x3FDB];
	_ =	sdelay $0x1  }
0x99: {  	s19 =	simm.s32 $_scs_section_size  }
0x9a: {  	s4 =	simm.s32 $_size__tile_overlayer_lowered;
	s5 =	simm.s32 $_tile_overlayer_lowered  }
0x9b: {  	s22 =	simm.s32 $0x1BFF;
	s21 =	sshll.u32 s5, $0x1;
	s2 =	sadd.s32 s19, s18  }
0x9c: {  	s6 =	simm.s32 $0x0;
	s20 =	sshll.u32 s4, $0x1;
	s4 =	sadd.s32 s21, s2  }
0x9d: {  	[timem:s6], [sflag:s22] =	dma.local [hbm:s4], s20  }
0x9e: {  	_ =	swait.ge [sflag:s22], s20  }
0x9f: {  	s3 =	ssub.s32 $0x0, s20;
	[sflag:s22] =	ssyncset.done $0x0  }
0xa0: {  	[sflag:s22] =	ssyncadd.s32 s3;
	_ =	sdelay $0x1  }
0xa1: {  	s23 =	simm.s32 $0x1B8B  }
0xa2: {  	_ =	swait.ge [sflag:s23], $0x1  }
0xa3: {  	[sflag:s23] =	ssyncset.done $0x0  }
0xa4: {  	s25 =	simm.s32 $0x1B8E;
	s24 =	sld [smem:$0x3FFE];
	[sflag:s23] =	ssyncadd.s32 $0xFFFFFFFF  }
0xa5: {  	s26 =	simm.s32 $execute0_lowered;
	[smem:$0x3FD2] =	sst s25  }
0xa6: {  	s4 =	sshll.u32 s26, $0x1;
	_ =	strace $0x80000049;
	[dreg:$0x1] =	wrdreg $0xFFFFFFFF  }
0xa7: {  	s28 =	simm.s32 $_size_execute0_lowered;
	s2 =	sadd.s32 s2, s4;
	[dreg:$0x0] =	wrdreg $0x0  }
0xa8: {  	s4 =	sshll.u32 s28, $0x1;
	[dreg:$0x2] =	wrdreg s2  }
0xa9: {  	[dreg:$0x3] =	wrdreg s4  }
0xaa: {  	[dreg:$0x4] =	wrdreg $0xC0  }
0xab: {  	_ =	task [dreg:s6], $0x5FFFF  }
0xac: {  	[dreg:$0x1] =	wrdreg $0xFFFFFFFF  }
0xad: {  	[dreg:$0x0] =	wrdreg $0x60  }
0xae: {  	[dreg:$0x2] =	wrdreg s24  }
0xaf: {  	[dreg:$0x3] =	wrdreg $0xB7800  }
0xb0: {  	[dreg:$0x4] =	wrdreg $0x9  }
0xb1: {  	_ =	task.clear_ibuf [dreg:s6], $0x5FFFF;
	_ =	strace $0x90000049  }
0xb2: {  	s29 =	simm.s32 $0x9;
	_ =	strace $0x8000004B  }
0xb3: {  	_ =	swait.ge [sflag:s29], $0x1  }
0xb4: {  	[sflag:s29] =	ssyncadd.s32 $0xFFFFFFFF  }
0xb5: {  	_ =	strace $0x9000004B  }
0xb6: {  	_ =	sfence  }
0xb7: {  	s30 =	sld [smem:$0x0];
	_ =	sdelay $0x2  }
0xb8: {  	s31 =	sshll.u32 s1, $0xD;
	s1 =	sshrl.u32 s1, $0x2  }
0xb9: {  	s3 =	sand.u32 $0x4000, s31;
	s1 =	sadd.s32 s1, s30  }
0xba: {  	s0 =	sor.u32 s3, s0;
	s1 =	sshll.u32 s1, $0x11  }
0xbb: {  	s0 =	sor.u32 s1, s0  }
0xbc: {  	s0 =	sadd.s32 $0x8F2B, s0  }
0xbd: {  	[sflag:s0] =	ssyncadd.remote.s32 $0x1  }
0xbe: {  	_ =	sfence.sel $0xFFFF  }
0xbf: {  	[dreg:$0x0] =	wrdreg $0xFFFFFFFF;
	(pc) =	sbr.abs _section_cstart, $3  }
0xc0: {  	[dreg:$0x1] =	wrdreg $0xFFFFFFFF  }
0xc1: {  	_ =	task.clear_ibuf [dreg:s6], $0x2FFFF;
	_ =	strace $0x9FFFFFFF  }
0xc2: {  	(tm) =	ssettm $0x7FFFFFFF  }
0xc3: {  	_ =	shalt  }
tec
execute0_lowered:
.L_overlay_start_1:
0x0: {  	(tag) =	ssettag $0x1  }
0x1: {  	s0 =	srdreg.scid;
	s6 =	rddreg [dreg:$0x0]  }
0x2: {  	s2 =	rddreg [dreg:$0x1];
	s3 =	simm.s32 $0x0;
	s14 =	simm.s32 $0x400  }
0x3: {  	s15 =	simm.s32 $0x2780;
	s16 =	simm.s32 $0x50;
	s17 =	simm.s32 $0x6780  }
0x4: {  	s18 =	simm.s32 $0x1;
	s19 =	simm.s32 $0x8F80;
	s20 =	simm.s32 $0x2  }
0x5: {  	s21 =	simm.s32 $0x6580;
	s5 =	sand.u32 $0x1, s0;
	s0 =	stileid.u32  }
0x6: {  	s22 =	simm.s32 $0x0;
	[smem:$0x7FF] =	sst s3;
	s25 =	smul.u32 $0x13C00, s0  }
0x7: {  	s1 =	sshll.u32 s5, $0x4;
	s8 =	sshll.u32 s0, $0x7;
	s10 =	smul.u32 $0x13C000, s5  }
0x8: {  	s26 =	smul.u32 $0x4F000, s0;
	s5 =	ssub.s32 $0x2, s5;
	s31 =	sshll.u32 s0, $0x6  }
0x9: {  	s4 =	sor.u32 s0, s1;
	s1 =	rddreg [dreg:$0x2];
	s8 =	sand.u32 $0x380, s8  }
0xa: {  	_ =	strace $0x8000004A;
	s28 =	sshrl.u32 s5, $0x1;
	s7 =	sshrl.u32 s4, $0x3  }
0xb: {  	s9 =	sshll.u32 s4, $0xB;
	s4 =	sadd.s32 $0x1F000, s6;
	s11 =	sshrl.u32 s25, $0x3  }
0xc: {  	s29 =	sshrl.u32 s26, $0x2;
	s30 =	ssub.s32 s5, s28;
	s7 =	smul.u32 $0x13C00, s7  }
0xd: {  	s9 =	sadd.s32 s9, s6;
	s11 =	sadd.s32 s11, s6;
	s13 =	sadd.s32 s29, s2  }
0xe: {  	s5 =	sadd.s32 $0x46200, s11;
	s11 =	sshrl.u32 s13, $0x3;
	s7 =	sor.u32 s8, s7  }
0xf: {  	s13 =	simm.s32 $0x80;
	s8 =	sadd.s32 s25, s10;
	s7 =	sshrl.u32 s7, $0x3  }
0x10: {  	s10 =	smax.u32 s30, $0x1;
	s8 =	sshrl.u32 s8, $0x3;
	s7 =	sadd.s32 s7, s6  }
0x11: {  	s12 =	sadd.s32 s8, s6;
	s6 =	sor.u32 $0x1C03, s31;
	s8 =	sadd.s32 $0x4200, s9  }
0x12: {  	s7 =	sadd.s32 $0x15200, s7;
	s9 =	sadd.s32 $0x6DA00, s12;
	s12 =	simm.s32 $0x3  }
.LBB2_1:
0x13: {  	[spmem:s11], [sflag:s6] =	dma.local [hbm:s5], $0x2780  }
0x14: {  	_ =	swait.ge [sflag:s12], $0x2780  }
0x15: {  	[sflag:s12] =	ssyncset.done $0x0  }
0x16: {  	[sflag:s12] =	ssyncadd.s32 $0xFFFFD880  }
0x17: {  	[tilespmem:s3], [sflag:$0x3] =	stream.strided.gather [hbm4b:s7+s13], $0x2780, s14, s13, $0x38;
	[tilespmem:$0x1F380] =	vst v63  }
0x18: {  	_ =	swait.ge [sflag:s12], $0x2780  }
0x19: {  	[sflag:s12] =	ssyncset.done $0x0  }
0x1a: {  	[sflag:s12] =	ssyncadd.s32 $0xFFFFD880  }
0x1b: {  	[tilespmem:s15], [sflag:$0x3] =	stream.linear.gather [hbm4b:s8+s3], $0x3E80, $0x38;
	[tilespmem:$0x1F380] =	vst v63  }
0x1c: {  	_ =	swait.ge [sflag:s12], $0x3E80  }
0x1d: {  	[sflag:s12] =	ssyncset.done $0x0  }
0x1e: {  	[sflag:s12] =	ssyncadd.s32 $0xFFFFC180  }
0x1f: {  	[bflag:$0x0] =	sbarrier.arrive $0xFFFF  }
0x20: {  	[tilespmem:s17], [sflag:$0x1] =	stream.indirect.gather [hbm4b:s4+s16], $0x80, s3, s16, $0xb8;
	[tilespmem:$0x1F380] =	vst v63  }
0x21: {  	_ =	swait.ge [sflag:s18], $0x2800  }
0x22: {  	[sflag:s18] =	ssyncset.done $0x0  }
0x23: {  	s23 =	simm.s32 $0x50;
	[sflag:s18] =	ssyncadd.s32 $0xFFFFD800  }
0x24: {  	[tilespmem:s19], [sflag:$0x2] =	stream.indirect.gather [hbm4b:s4+s16], $0x80, s23, s16, $0xb8;
	[tilespmem:$0x1F380] =	vst v63  }
0x25: {  	s31 =	simm.s32 $0x2780  }
0x26: {  	[spmem:s2] =	stream.indirect.scatter.add.f32 [tilespmem:s17], [sflag:$0x3], $0x80, s31, s16, $0xb8;
	[tilespmem:$0x1F380] =	vst v63  }
0x27: {  	_ =	swait.ge [sflag:s12], $0x2800  }
0x28: {  	[sflag:s12] =	ssyncset.done $0x0  }
0x29: {  	[sflag:s12] =	ssyncadd.s32 $0xFFFFD800  }
0x2a: {  	_ =	swait.ge [sflag:s20], $0x2800  }
0x2b: {  	[sflag:s20] =	ssyncset.done $0x0  }
0x2c: {  	s23 =	simm.s32 $0xA0;
	[sflag:s20] =	ssyncadd.s32 $0xFFFFD800  }
0x2d: {  	[tilespmem:s17], [sflag:$0x1] =	stream.indirect.gather [hbm4b:s4+s16], $0x80, s23, s16, $0xb8;
	[tilespmem:$0x1F380] =	vst v63  }
0x2e: {  	s24 =	simm.s32 $0x2800  }
0x2f: {  	[spmem:s2] =	stream.indirect.scatter.add.f32 [tilespmem:s19], [sflag:$0x3], $0x80, s24, s16, $0xb8;
	[tilespmem:$0x1F380] =	vst v63  }
0x30: {  	_ =	swait.ge [sflag:s12], $0x2800  }
0x31: {  	s24 =	simm.s32 $0x400;
	[sflag:s12] =	ssyncset.done $0x0  }
.LBB2_2:
0x32: {  	p0 =	sne.s32 s24, $0xF400;
	[sflag:s12] =	ssyncadd.s32 $0xFFFFD800;
	s23 =	sadd.s32 $0xA0, s23  }
0x33: {  	s25 =	smov.u32 s24;
	s24 =	sadd.s32 $0x400, s24  }
0x34: {  	_ =	swait.ge [sflag:s18], $0x2800  }
0x35: {  	[sflag:s18] =	ssyncset.done $0x0  }
0x36: {  	s26 =	sadd.s32 $0xFFFFFFB0, s23;
	s25 =	sshra.s32 s25, $0x2;
	[sflag:s18] =	ssyncadd.s32 $0xFFFFD800  }
0x37: {  	[tilespmem:s19], [sflag:$0x2] =	stream.indirect.gather [hbm4b:s4+s16], $0x80, s26, s16, $0xb8;
	[tilespmem:$0x1F380] =	vst v63  }
0x38: {  	s26 =	sadd.s32 $0x2780, s25  }
0x39: {  	[spmem:s2] =	stream.indirect.scatter.add.f32 [tilespmem:s17], [sflag:$0x3], $0x80, s26, s16, $0xb8;
	[tilespmem:$0x1F380] =	vst v63  }
0x3a: {  	_ =	swait.ge [sflag:s12], $0x2800  }
0x3b: {  	[sflag:s12] =	ssyncset.done $0x0  }
0x3c: {  	[sflag:s12] =	ssyncadd.s32 $0xFFFFD800  }
0x3d: {  	_ =	swait.ge [sflag:s20], $0x2800  }
0x3e: {  	[sflag:s20] =	ssyncset.done $0x0  }
0x3f: {  	[sflag:s20] =	ssyncadd.s32 $0xFFFFD800  }
0x40: {  	[tilespmem:s17], [sflag:$0x1] =	stream.indirect.gather [hbm4b:s4+s16], $0x80, s23, s16, $0xb8;
	[tilespmem:$0x1F380] =	vst v63  }
.Ltmp0:
0x41: {  	_ = 	snop;
	(pc) =	sbr.rel @p0 .LBB2_2-.Ltmp0, $4  }
0x42: {  	s25 =	sadd.s32 $0x2800, s25  }
0x43: {  	[spmem:s2] =	stream.indirect.scatter.add.f32 [tilespmem:s19], [sflag:$0x3], $0x80, s25, s16, $0xb8;
	[tilespmem:$0x1F380] =	vst v63  }
0x44: {  	_ =	swait.ge [sflag:s12], $0x2800  }
0x45: {  	[sflag:s12] =	ssyncset.done $0x0  }
0x46: {  	[sflag:s12] =	ssyncadd.s32 $0xFFFFD800  }
0x47: {  	_ =	swait.ge [sflag:s18], $0x2800  }
0x48: {  	[sflag:s18] =	ssyncset.done $0x0  }
0x49: {  	[sflag:s18] =	ssyncadd.s32 $0xFFFFD800  }
0x4a: {  	[spmem:s2] =	stream.indirect.scatter.add.f32 [tilespmem:s17], [sflag:$0x3], $0x80, s21, s16, $0xb8;
	[tilespmem:$0x1F380] =	vst v63  }
0x4b: {  	_ =	swait.ge [sflag:s12], $0x2800  }
0x4c: {  	s22 =	sadd.s32 $0x1, s22;
	[sflag:s12] =	ssyncset.done $0x0  }
0x4d: {  	p0 =	sne.s32 s22, s10;
	[sflag:s12] =	ssyncadd.s32 $0xFFFFD800  }
.Ltmp1:
0x4e: {  	[bflag:$0x0] =	sbarrier.arrive $0xFFFF;
	(pc) =	sbr.rel @p0 .LBB2_1-.Ltmp1, $4  }
0x4f: {  	[hbm:s9], [sflag:s6] =	dma.local [spmem:s11], $0x2780  }
0x50: {  	_ =	swait.ge [sflag:s12], $0x2780  }
0x51: {  	[sflag:s12] =	ssyncset.done $0x0  }
0x52: {  	[sflag:s12] =	ssyncadd.s32 $0xFFFFD880  }
0x53: {  	_ =	sfence.sel $0x180000  }
0x54: {  	[bflag:$0x0] =	sbarrier.arrive $0xFFFF  }
0x55: {  	p0 =	sne.s32 s0, $0x0;
	_ =	strace $0x9000004A  }
0x56: {  	s0 =	sadd.s32 @!p0 $0x100000, s1;
	[bflag:$0x2] =	sbarrier.arrive $0xFFFF  }
0x57: {  	[sflag:s0] =	ssyncadd.tile.s32 @!p0 $0x1;
	_ =	shalt  }
.Lfunc_end2:
_tile_overlayer_lowered:
.L_overlay_start_2:
0x58: {  	(tag) =	ssettag $0x2  }
0x59: {  	s0 =	rddreg [dreg:$0x0];
	s2 =	stileid.u32  }
0x5a: {  	s1 =	rddreg [dreg:$0x1];
	p0 =	sne.s32 s2, $0x0  }
0x5b: {  	s3 =	rddreg [dreg:$0x2];
	[bflag:$0x3] =	sbarrier.arrive $0xFFFF;
	s2 =	simm.s32 @!p0 $0x1C03  }
0x5c: {  	[timem:s3], [sflag:s2] =	dma.local @!p0 [hbm:s0], s1  }
0x5d: {  	s0 =	simm.s32 @!p0 $0x3  }
0x5e: {  	_ =	swait.ge @!p0 [sflag:s0], s1  }
0x5f: {  	s1 =	ssub.s32 @!p0 $0x0, s1;
	[sflag:s0] =	ssyncset.done @!p0 $0x0  }
0x60: {  	[sflag:s0] =	ssyncadd.s32 @!p0 s1  }
0x61: {  	[bflag:$0x3] =	sbarrier.arrive $0xFFFF  }
0x62: {  	_ =	shalt  }

// kernel: kernel.16.cloned.1.call-start
scs
__scs_entry_jumppad:
0x0: {  	(pc) =	sbr.rel $0x88, $3  }
0x1: {  	(tag) =	ssettag $0x0;
	lr =	simm.s32 $0x1  }
0x2: {  	[smem:$0x3F96] =	sst lr;
	_ =	strace $0xD0000000  }
0x3: {  	_ = 	snop  }
0x4: {  	_ = 	snop  }
0x5: {  	_ = 	snop  }
0x6: {  	_ = 	snop  }
0x7: {  	_ = 	snop  }
__scs_overlays_trampoline_lowered:
0x8: {  	[smem:$0x3FA5] =	sst s0  }
0x9: {  	[smem:$0x3FA6] =	sst s1  }
0xa: {  	[smem:$0x3FA7] =	sst s2  }
0xb: {  	[smem:$0x3FA8] =	sst s3  }
0xc: {  	[smem:$0x3FA9] =	sst s4  }
0xd: {  	[smem:$0x3FAA] =	sst s5  }
0xe: {  	[smem:$0x3FAB] =	sst s6  }
0xf: {  	[smem:$0x3FAC] =	sst s7  }
0x10: {  	[smem:$0x3FAD] =	sst s8  }
0x11: {  	[smem:$0x3FAE] =	sst s9;
	s0 =	simm.s32 @!p0 $0x0  }
0x12: {  	s1 =	sld [smem:$0x3F94];
	s0 =	simm.s32 @p0 $0x1  }
0x13: {  	[smem:$0x3FAF] =	sst s0;
	s0 =	simm.s32 @!p1 $0x0  }
0x14: {  	s2 =	sld [smem:$0x3F93];
	s0 =	simm.s32 @p1 $0x1  }
0x15: {  	[smem:$0x3FB0] =	sst s0;
	s0 =	simm.s32 @!p2 $0x0  }
0x16: {  	s3 =	sld [smem:$0x3FDB];
	s0 =	simm.s32 @p2 $0x1  }
0x17: {  	s4 =	simm.s32 $0x1BF5;
	[smem:$0x3FB2] =	sst s0  }
0x18: {  	s0 =	sld [smem:$0x3F95];
	_ =	swait.ge [sflag:s4], $0x0  }
0x19: {  	s7 =	sld [smem:$0x3F96]  }
0x1a: {  	s8 =	sadd.s32 $0xFFFFE003, lr  }
0x1b: {  	s9 =	sadd.s32 $0xFFFFFEF7, lr;
	s5 =	simm.s32 $0xFFFFFFFF;
	p2 =	slt.u32 s8, $0xFFFFF086  }
0x1c: {  	p1 =	slt.u32 s9, $0xF7A;
	s5 =	simm.s32 @!p2 $0x0  }
0x1d: {  	s5 =	simm.s32 @p1 $0x1;
	p0 =	seq.s32 s7, s2  }
0x1e: {  	s7 =	smul.u32 @!p0 $0xF7A, s2;
	p2 =	seq.s32 @!p0 s5, $0x0  }
0x1f: {  	s9 =	smul.u32 $0xF7A, s1;
	s8 =	simm.s32 @!p0 $0x1BF5;
	p2 =	por !p2, p0  }
0x20: {  	[sflag:s8] =	ssyncset.s32 @!p0 $0xFFFFF086;
	s6 =	sadd.s32 @!p0 s3, s7;
	s7 =	simm.s32 @!p0 $0x108  }
0x21: {  	s3 =	sadd.s32 s3, s9;
	s6 =	sadd.s32 @!p0 $0x88, s6;
	s7 =	simm.s32 @p2 $0x1082  }
0x22: {  	[simem:s7], [sflag:s8] =	dma.local @!p0 [hbm:s6], $0xF7A  }
0x23: {  	s9 =	sor.u32 $0xD0000000, s2;
	s6 =	simm.s32 $0x108;
	_ =	swait.ge @!p0 [sflag:s8], $0x0  }
0x24: {  	s3 =	sadd.s32 $0x88, s3;
	s6 =	simm.s32 @!p1 $0x1082;
	[sflag:s4] =	ssyncset.s32 $0xFFFFF086  }
0x25: {  	[simem:s6], [sflag:s4] =	dma.local [hbm:s3], $0xF7A  }
0x26: {  	[smem:$0x3F96] =	sst s1;
	(tag) =	ssettag s2;
	_ =	strace s9  }
0x27: {  	s1 =	sld [smem:$0x3FA6]  }
0x28: {  	s2 =	sld [smem:$0x3FA7]  }
0x29: {  	s4 =	sld [smem:$0x3FA9]  }
0x2a: {  	p0 =	seq.s32 s5, $0x0;
	s5 =	sld [smem:$0x3FAA]  }
0x2b: {  	s6 =	sld [smem:$0x3FAB]  }
0x2c: {  	s7 =	sld [smem:$0x3FAC]  }
0x2d: {  	s3 =	simm.s32 $0x108;
	s8 =	sld [smem:$0x3FAD]  }
0x2e: {  	s3 =	simm.s32 @!p0 $0x1082;
	s9 =	sld [smem:$0x3FAE]  }
0x2f: {  	lr =	sadd.s32 s0, s3;
	s0 =	sld [smem:$0x3FA5]  }
0x30: {  	s3 =	sld [smem:$0x3FA8]  }
0x31: {  	[smem:$0x3FB1] =	sst s10  }
0x32: {  	s10 =	sld [smem:$0x3FAF];
	_ =	sdelay $0x3  }
0x33: {  	p0 =	seq.s32 s10, $0x1;
	s10 =	sld [smem:$0x3FB1];
	_ =	sdelay $0x3  }
0x34: {  	[smem:$0x3FB1] =	sst s10  }
0x35: {  	s10 =	sld [smem:$0x3FB0];
	_ =	sdelay $0x3  }
0x36: {  	p1 =	seq.s32 s10, $0x1;
	s10 =	sld [smem:$0x3FB1];
	_ =	sdelay $0x3  }
0x37: {  	[smem:$0x3FB1] =	sst s10  }
0x38: {  	s10 =	sld [smem:$0x3FB2]  }
0x39: {  	_ = 	snop;
	(pc) =	sbr.ind lr, $3  }
0x3a: {  	_ = 	snop  }
0x3b: {  	_ = 	snop  }
0x3c: {  	p2 =	seq.s32 s10, $0x1;
	s10 =	sld [smem:$0x3FB1]  }
0x3d: {  	_ =	shalt  }
0x3e: {  	_ =	shalt  }
0x3f: {  	_ =	shalt  }
0x40: {  	_ =	shalt  }
0x41: {  	_ =	shalt  }
0x42: {  	_ =	shalt  }
0x43: {  	_ =	shalt  }
0x44: {  	_ =	shalt  }
0x45: {  	_ =	shalt  }
0x46: {  	_ =	shalt  }
0x47: {  	_ =	shalt  }
0x48: {  	_ =	shalt  }
0x49: {  	_ =	shalt  }
0x4a: {  	_ =	shalt  }
0x4b: {  	_ =	shalt  }
0x4c: {  	_ =	shalt  }
0x4d: {  	_ =	shalt  }
0x4e: {  	_ =	shalt  }
0x4f: {  	_ =	shalt  }
0x50: {  	_ =	shalt  }
0x51: {  	_ =	shalt  }
0x52: {  	_ =	shalt  }
0x53: {  	_ =	shalt  }
0x54: {  	_ =	shalt  }
0x55: {  	_ =	shalt  }
0x56: {  	_ =	shalt  }
0x57: {  	_ =	shalt  }
0x58: {  	_ =	shalt  }
0x59: {  	_ =	shalt  }
0x5a: {  	_ =	shalt  }
0x5b: {  	_ =	shalt  }
0x5c: {  	_ =	shalt  }
0x5d: {  	_ =	shalt  }
0x5e: {  	_ =	shalt  }
0x5f: {  	_ =	shalt  }
0x60: {  	_ =	shalt  }
0x61: {  	_ =	shalt  }
0x62: {  	_ =	shalt  }
0x63: {  	_ =	shalt  }
0x64: {  	_ =	shalt  }
0x65: {  	_ =	shalt  }
0x66: {  	_ =	shalt  }
0x67: {  	_ =	shalt  }
0x68: {  	_ =	shalt  }
0x69: {  	_ =	shalt  }
0x6a: {  	_ =	shalt  }
0x6b: {  	_ =	shalt  }
0x6c: {  	_ =	shalt  }
0x6d: {  	_ =	shalt  }
0x6e: {  	_ =	shalt  }
0x6f: {  	_ =	shalt  }
0x70: {  	_ =	shalt  }
0x71: {  	_ =	shalt  }
0x72: {  	_ =	shalt  }
0x73: {  	_ =	shalt  }
0x74: {  	_ =	shalt  }
0x75: {  	_ =	shalt  }
0x76: {  	_ =	shalt  }
0x77: {  	_ =	shalt  }
0x78: {  	_ =	shalt  }
0x79: {  	_ =	shalt  }
0x7a: {  	_ =	shalt  }
0x7b: {  	_ =	shalt  }
0x7c: {  	_ =	shalt  }
0x7d: {  	_ =	shalt  }
0x7e: {  	_ =	shalt  }
0x7f: {  	_ =	shalt  }
0x80: {  	_ =	shalt  }
0x81: {  	_ =	shalt  }
0x82: {  	_ =	shalt  }
0x83: {  	_ =	shalt  }
0x84: {  	_ =	shalt  }
0x85: {  	_ =	shalt  }
0x86: {  	_ =	shalt  }
0x87: {  	_ =	shalt  }
.Lfunc_end0:
.L_simem_size_0:
called_computation.2_lowered:
.L_overlay_start_0:
0x88: {  	s2 =	sld [smem:$0x3FD9]  }
0x89: {  	s3 =	sld [smem:$0x3FFE];
	_ =	sdelay $0x1  }
0x8a: {  	s1 =	srdreg.scid  }
0x8b: {  	s0 =	sand.u32 $0x1, s1  }
0x8c: {  	s16 =	sshll.u32 s0, $0xA;
	s2 =	sadd.s32 s3, s2  }
0x8d: {  	s2 =	sadd.s32 s2, s16  }
0x8e: {  	[smem:$0x3FBD] =	sst s2  }
0x8f: {  	_ = 	snop  }
0x90: {  	(tm) =	ssettm $0x1  }
0x91: {  	s17 =	sld [smem:$0x3FFB];
	_ =	sdelay $0x3  }
0x92: {  	_ =	strace s17  }
0x93: {  	s2 =	sld [smem:$0x3FFC];
	_ =	sdelay $0x3  }
0x94: {  	_ =	strace s2  }
0x95: {  	s2 =	sld [smem:$0x3FFD];
	_ =	sdelay $0x3  }
0x96: {  	_ =	strace s2  }
0x97: {  	_ =	strace $0x8FFFFFFF  }
0x98: {  	s18 =	sld [smem:$0x3FDB];
	_ =	sdelay $0x1  }
0x99: {  	s19 =	simm.s32 $_scs_section_size  }
0x9a: {  	s4 =	simm.s32 $_size__tile_overlayer_lowered;
	s5 =	simm.s32 $_tile_overlayer_lowered  }
0x9b: {  	s22 =	simm.s32 $0x1BFF;
	s21 =	sshll.u32 s5, $0x1;
	s2 =	sadd.s32 s19, s18  }
0x9c: {  	s6 =	simm.s32 $0x0;
	s20 =	sshll.u32 s4, $0x1;
	s4 =	sadd.s32 s21, s2  }
0x9d: {  	[timem:s6], [sflag:s22] =	dma.local [hbm:s4], s20  }
0x9e: {  	_ =	swait.ge [sflag:s22], s20  }
0x9f: {  	s3 =	ssub.s32 $0x0, s20;
	[sflag:s22] =	ssyncset.done $0x0  }
0xa0: {  	[sflag:s22] =	ssyncadd.s32 s3;
	_ =	sdelay $0x1  }
0xa1: {  	s23 =	simm.s32 $0x1B8B  }
0xa2: {  	_ =	swait.ge [sflag:s23], $0x1  }
0xa3: {  	[sflag:s23] =	ssyncset.done $0x0  }
0xa4: {  	s25 =	simm.s32 $0x1B8E;
	s24 =	sld [smem:$0x3FFE];
	[sflag:s23] =	ssyncadd.s32 $0xFFFFFFFF  }
0xa5: {  	s26 =	simm.s32 $execute0_lowered;
	[smem:$0x3FD2] =	sst s25  }
0xa6: {  	s4 =	sshll.u32 s26, $0x1;
	_ =	strace $0x8000004C;
	[dreg:$0x1] =	wrdreg $0xFFFFFFFF  }
0xa7: {  	s28 =	simm.s32 $_size_execute0_lowered;
	s2 =	sadd.s32 s2, s4;
	[dreg:$0x0] =	wrdreg $0x0  }
0xa8: {  	s4 =	sshll.u32 s28, $0x1;
	[dreg:$0x2] =	wrdreg s2  }
0xa9: {  	[dreg:$0x3] =	wrdreg s4  }
0xaa: {  	[dreg:$0x4] =	wrdreg $0xC0  }
0xab: {  	_ =	task [dreg:s6], $0x5FFFF  }
0xac: {  	[dreg:$0x1] =	wrdreg $0xFFFFFFFF  }
0xad: {  	[dreg:$0x0] =	wrdreg $0x60  }
0xae: {  	[dreg:$0x2] =	wrdreg s24  }
0xaf: {  	[dreg:$0x3] =	wrdreg $0xB7800  }
0xb0: {  	[dreg:$0x4] =	wrdreg $0x9  }
0xb1: {  	_ =	task.clear_ibuf [dreg:s6], $0x5FFFF;
	_ =	strace $0x9000004C  }
0xb2: {  	s29 =	simm.s32 $0x9;
	_ =	strace $0x8000004E  }
0xb3: {  	_ =	swait.ge [sflag:s29], $0x1  }
0xb4: {  	[sflag:s29] =	ssyncadd.s32 $0xFFFFFFFF  }
0xb5: {  	_ =	strace $0x9000004E  }
0xb6: {  	_ =	sfence  }
0xb7: {  	s30 =	sld [smem:$0x0];
	_ =	sdelay $0x2  }
0xb8: {  	s31 =	sshll.u32 s1, $0xD;
	s1 =	sshrl.u32 s1, $0x2  }
0xb9: {  	s3 =	sand.u32 $0x4000, s31;
	s1 =	sadd.s32 s1, s30  }
0xba: {  	s0 =	sor.u32 s3, s0;
	s1 =	sshll.u32 s1, $0x11  }
0xbb: {  	s0 =	sor.u32 s1, s0  }
0xbc: {  	s0 =	sadd.s32 $0x8F2B, s0  }
0xbd: {  	[sflag:s0] =	ssyncadd.remote.s32 $0x1  }
0xbe: {  	_ =	sfence.sel $0xFFFF  }
0xbf: {  	[dreg:$0x0] =	wrdreg $0xFFFFFFFF;
	(pc) =	sbr.abs _section_cstart, $3  }
0xc0: {  	[dreg:$0x1] =	wrdreg $0xFFFFFFFF  }
0xc1: {  	_ =	task.clear_ibuf [dreg:s6], $0x2FFFF;
	_ =	strace $0x9FFFFFFF  }
0xc2: {  	(tm) =	ssettm $0x7FFFFFFF  }
0xc3: {  	_ =	shalt  }
tec
execute0_lowered:
.L_overlay_start_1:
0x0: {  	(tag) =	ssettag $0x1  }
0x1: {  	s0 =	srdreg.scid;
	s6 =	rddreg [dreg:$0x0]  }
0x2: {  	s2 =	rddreg [dreg:$0x1];
	s3 =	simm.s32 $0x0;
	s14 =	simm.s32 $0x400  }
0x3: {  	s15 =	simm.s32 $0x2780;
	s16 =	simm.s32 $0x50;
	s17 =	simm.s32 $0x6780  }
0x4: {  	s18 =	simm.s32 $0x1;
	s19 =	simm.s32 $0x8F80;
	s20 =	simm.s32 $0x2  }
0x5: {  	s21 =	simm.s32 $0x6580;
	s5 =	sand.u32 $0x1, s0;
	s0 =	stileid.u32  }
0x6: {  	s22 =	simm.s32 $0x0;
	[smem:$0x7FF] =	sst s3;
	s25 =	smul.u32 $0x13C00, s0  }
0x7: {  	s1 =	sshll.u32 s5, $0x4;
	s8 =	sshll.u32 s0, $0x7;
	s10 =	smul.u32 $0x13C000, s5  }
0x8: {  	s26 =	smul.u32 $0x4F000, s0;
	s5 =	ssub.s32 $0x2, s5;
	s31 =	sshll.u32 s0, $0x6  }
0x9: {  	s4 =	sor.u32 s0, s1;
	s1 =	rddreg [dreg:$0x2];
	s8 =	sand.u32 $0x380, s8  }
0xa: {  	_ =	strace $0x8000004D;
	s28 =	sshrl.u32 s5, $0x1;
	s7 =	sshrl.u32 s4, $0x3  }
0xb: {  	s9 =	sshll.u32 s4, $0xB;
	s4 =	sadd.s32 $0x1F000, s6;
	s11 =	sshrl.u32 s25, $0x3  }
0xc: {  	s29 =	sshrl.u32 s26, $0x2;
	s30 =	ssub.s32 s5, s28;
	s7 =	smul.u32 $0x13C00, s7  }
0xd: {  	s9 =	sadd.s32 s9, s6;
	s11 =	sadd.s32 s11, s6;
	s13 =	sadd.s32 s29, s2  }
0xe: {  	s5 =	sadd.s32 $0x46200, s11;
	s11 =	sshrl.u32 s13, $0x3;
	s7 =	sor.u32 s8, s7  }
0xf: {  	s13 =	simm.s32 $0x80;
	s8 =	sadd.s32 s25, s10;
	s7 =	sshrl.u32 s7, $0x3  }
0x10: {  	s10 =	smax.u32 s30, $0x1;
	s8 =	sshrl.u32 s8, $0x3;
	s7 =	sadd.s32 s7, s6  }
0x11: {  	s12 =	sadd.s32 s8, s6;
	s6 =	sor.u32 $0x1C03, s31;
	s8 =	sadd.s32 $0x4200, s9  }
0x12: {  	s7 =	sadd.s32 $0x15200, s7;
	s9 =	sadd.s32 $0x6DA00, s12;
	s12 =	simm.s32 $0x3  }
.LBB2_1:
0x13: {  	[spmem:s11], [sflag:s6] =	dma.local [hbm:s5], $0x2780  }
0x14: {  	_ =	swait.ge [sflag:s12], $0x2780  }
0x15: {  	[sflag:s12] =	ssyncset.done $0x0  }
0x16: {  	[sflag:s12] =	ssyncadd.s32 $0xFFFFD880  }
0x17: {  	[tilespmem:s3], [sflag:$0x3] =	stream.strided.gather [hbm4b:s7+s13], $0x2780, s14, s13, $0x38;
	[tilespmem:$0x1F380] =	vst v63  }
0x18: {  	_ =	swait.ge [sflag:s12], $0x2780  }
0x19: {  	[sflag:s12] =	ssyncset.done $0x0  }
0x1a: {  	[sflag:s12] =	ssyncadd.s32 $0xFFFFD880  }
0x1b: {  	[tilespmem:s15], [sflag:$0x3] =	stream.linear.gather [hbm4b:s8+s3], $0x3E80, $0x38;
	[tilespmem:$0x1F380] =	vst v63  }
0x1c: {  	_ =	swait.ge [sflag:s12], $0x3E80  }
0x1d: {  	[sflag:s12] =	ssyncset.done $0x0  }
0x1e: {  	[sflag:s12] =	ssyncadd.s32 $0xFFFFC180  }
0x1f: {  	[bflag:$0x0] =	sbarrier.arrive $0xFFFF  }
0x20: {  	[tilespmem:s17], [sflag:$0x1] =	stream.indirect.gather [hbm4b:s4+s16], $0x80, s3, s16, $0xb8;
	[tilespmem:$0x1F380] =	vst v63  }
0x21: {  	_ =	swait.ge [sflag:s18], $0x2800  }
0x22: {  	[sflag:s18] =	ssyncset.done $0x0  }
0x23: {  	s23 =	simm.s32 $0x50;
	[sflag:s18] =	ssyncadd.s32 $0xFFFFD800  }
0x24: {  	[tilespmem:s19], [sflag:$0x2] =	stream.indirect.gather [hbm4b:s4+s16], $0x80, s23, s16, $0xb8;
	[tilespmem:$0x1F380] =	vst v63  }
0x25: {  	s31 =	simm.s32 $0x2780  }
0x26: {  	[spmem:s2] =	stream.indirect.scatter.add.f32 [tilespmem:s17], [sflag:$0x3], $0x80, s31, s16, $0xb8;
	[tilespmem:$0x1F380] =	vst v63  }
0x27: {  	_ =	swait.ge [sflag:s12], $0x2800  }
0x28: {  	[sflag:s12] =	ssyncset.done $0x0  }
0x29: {  	[sflag:s12] =	ssyncadd.s32 $0xFFFFD800  }
0x2a: {  	_ =	swait.ge [sflag:s20], $0x2800  }
0x2b: {  	[sflag:s20] =	ssyncset.done $0x0  }
0x2c: {  	s23 =	simm.s32 $0xA0;
	[sflag:s20] =	ssyncadd.s32 $0xFFFFD800  }
0x2d: {  	[tilespmem:s17], [sflag:$0x1] =	stream.indirect.gather [hbm4b:s4+s16], $0x80, s23, s16, $0xb8;
	[tilespmem:$0x1F380] =	vst v63  }
0x2e: {  	s24 =	simm.s32 $0x2800  }
0x2f: {  	[spmem:s2] =	stream.indirect.scatter.add.f32 [tilespmem:s19], [sflag:$0x3], $0x80, s24, s16, $0xb8;
	[tilespmem:$0x1F380] =	vst v63  }
0x30: {  	_ =	swait.ge [sflag:s12], $0x2800  }
0x31: {  	s24 =	simm.s32 $0x400;
	[sflag:s12] =	ssyncset.done $0x0  }
.LBB2_2:
0x32: {  	p0 =	sne.s32 s24, $0xF400;
	[sflag:s12] =	ssyncadd.s32 $0xFFFFD800;
	s23 =	sadd.s32 $0xA0, s23  }
0x33: {  	s25 =	smov.u32 s24;
	s24 =	sadd.s32 $0x400, s24  }
0x34: {  	_ =	swait.ge [sflag:s18], $0x2800  }
0x35: {  	[sflag:s18] =	ssyncset.done $0x0  }
0x36: {  	s26 =	sadd.s32 $0xFFFFFFB0, s23;
	s25 =	sshra.s32 s25, $0x2;
	[sflag:s18] =	ssyncadd.s32 $0xFFFFD800  }
0x37: {  	[tilespmem:s19], [sflag:$0x2] =	stream.indirect.gather [hbm4b:s4+s16], $0x80, s26, s16, $0xb8;
	[tilespmem:$0x1F380] =	vst v63  }
0x38: {  	s26 =	sadd.s32 $0x2780, s25  }
0x39: {  	[spmem:s2] =	stream.indirect.scatter.add.f32 [tilespmem:s17], [sflag:$0x3], $0x80, s26, s16, $0xb8;
	[tilespmem:$0x1F380] =	vst v63  }
0x3a: {  	_ =	swait.ge [sflag:s12], $0x2800  }
0x3b: {  	[sflag:s12] =	ssyncset.done $0x0  }
0x3c: {  	[sflag:s12] =	ssyncadd.s32 $0xFFFFD800  }
0x3d: {  	_ =	swait.ge [sflag:s20], $0x2800  }
0x3e: {  	[sflag:s20] =	ssyncset.done $0x0  }
0x3f: {  	[sflag:s20] =	ssyncadd.s32 $0xFFFFD800  }
0x40: {  	[tilespmem:s17], [sflag:$0x1] =	stream.indirect.gather [hbm4b:s4+s16], $0x80, s23, s16, $0xb8;
	[tilespmem:$0x1F380] =	vst v63  }
.Ltmp0:
0x41: {  	_ = 	snop;
	(pc) =	sbr.rel @p0 .LBB2_2-.Ltmp0, $4  }
0x42: {  	s25 =	sadd.s32 $0x2800, s25  }
0x43: {  	[spmem:s2] =	stream.indirect.scatter.add.f32 [tilespmem:s19], [sflag:$0x3], $0x80, s25, s16, $0xb8;
	[tilespmem:$0x1F380] =	vst v63  }
0x44: {  	_ =	swait.ge [sflag:s12], $0x2800  }
0x45: {  	[sflag:s12] =	ssyncset.done $0x0  }
0x46: {  	[sflag:s12] =	ssyncadd.s32 $0xFFFFD800  }
0x47: {  	_ =	swait.ge [sflag:s18], $0x2800  }
0x48: {  	[sflag:s18] =	ssyncset.done $0x0  }
0x49: {  	[sflag:s18] =	ssyncadd.s32 $0xFFFFD800  }
0x4a: {  	[spmem:s2] =	stream.indirect.scatter.add.f32 [tilespmem:s17], [sflag:$0x3], $0x80, s21, s16, $0xb8;
	[tilespmem:$0x1F380] =	vst v63  }
0x4b: {  	_ =	swait.ge [sflag:s12], $0x2800  }
0x4c: {  	s22 =	sadd.s32 $0x1, s22;
	[sflag:s12] =	ssyncset.done $0x0  }
0x4d: {  	p0 =	sne.s32 s22, s10;
	[sflag:s12] =	ssyncadd.s32 $0xFFFFD800  }
.Ltmp1:
0x4e: {  	[bflag:$0x0] =	sbarrier.arrive $0xFFFF;
	(pc) =	sbr.rel @p0 .LBB2_1-.Ltmp1, $4  }
0x4f: {  	[hbm:s9], [sflag:s6] =	dma.local [spmem:s11], $0x2780  }
0x50: {  	_ =	swait.ge [sflag:s12], $0x2780  }
0x51: {  	[sflag:s12] =	ssyncset.done $0x0  }
0x52: {  	[sflag:s12] =	ssyncadd.s32 $0xFFFFD880  }
0x53: {  	_ =	sfence.sel $0x180000  }
0x54: {  	[bflag:$0x0] =	sbarrier.arrive $0xFFFF  }
0x55: {  	p0 =	sne.s32 s0, $0x0;
	_ =	strace $0x9000004D  }
0x56: {  	s0 =	sadd.s32 @!p0 $0x100000, s1;
	[bflag:$0x2] =	sbarrier.arrive $0xFFFF  }
0x57: {  	[sflag:s0] =	ssyncadd.tile.s32 @!p0 $0x1;
	_ =	shalt  }
.Lfunc_end2:
_tile_overlayer_lowered:
.L_overlay_start_2:
0x58: {  	(tag) =	ssettag $0x2  }
0x59: {  	s0 =	rddreg [dreg:$0x0];
	s2 =	stileid.u32  }
0x5a: {  	s1 =	rddreg [dreg:$0x1];
	p0 =	sne.s32 s2, $0x0  }
0x5b: {  	s3 =	rddreg [dreg:$0x2];
	[bflag:$0x3] =	sbarrier.arrive $0xFFFF;
	s2 =	simm.s32 @!p0 $0x1C03  }
0x5c: {  	[timem:s3], [sflag:s2] =	dma.local @!p0 [hbm:s0], s1  }
0x5d: {  	s0 =	simm.s32 @!p0 $0x3  }
0x5e: {  	_ =	swait.ge @!p0 [sflag:s0], s1  }
0x5f: {  	s1 =	ssub.s32 @!p0 $0x0, s1;
	[sflag:s0] =	ssyncset.done @!p0 $0x0  }
0x60: {  	[sflag:s0] =	ssyncadd.s32 @!p0 s1  }
0x61: {  	[bflag:$0x3] =	sbarrier.arrive $0xFFFF  }
0x62: {  	_ =	shalt  }

// kernel: kernel.19.cloned.1.call-start
scs
__scs_entry_jumppad:
0x0: {  	(pc) =	sbr.rel $0x88, $3  }
0x1: {  	(tag) =	ssettag $0x0;
	lr =	simm.s32 $0x1  }
0x2: {  	[smem:$0x3F96] =	sst lr;
	_ =	strace $0xD0000000  }
0x3: {  	_ = 	snop  }
0x4: {  	_ = 	snop  }
0x5: {  	_ = 	snop  }
0x6: {  	_ = 	snop  }
0x7: {  	_ = 	snop  }
__scs_overlays_trampoline_lowered:
0x8: {  	[smem:$0x3FA5] =	sst s0  }
0x9: {  	[smem:$0x3FA6] =	sst s1  }
0xa: {  	[smem:$0x3FA7] =	sst s2  }
0xb: {  	[smem:$0x3FA8] =	sst s3  }
0xc: {  	[smem:$0x3FA9] =	sst s4  }
0xd: {  	[smem:$0x3FAA] =	sst s5  }
0xe: {  	[smem:$0x3FAB] =	sst s6  }
0xf: {  	[smem:$0x3FAC] =	sst s7  }
0x10: {  	[smem:$0x3FAD] =	sst s8  }
0x11: {  	[smem:$0x3FAE] =	sst s9;
	s0 =	simm.s32 @!p0 $0x0  }
0x12: {  	s1 =	sld [smem:$0x3F94];
	s0 =	simm.s32 @p0 $0x1  }
0x13: {  	[smem:$0x3FAF] =	sst s0;
	s0 =	simm.s32 @!p1 $0x0  }
0x14: {  	s2 =	sld [smem:$0x3F93];
	s0 =	simm.s32 @p1 $0x1  }
0x15: {  	[smem:$0x3FB0] =	sst s0;
	s0 =	simm.s32 @!p2 $0x0  }
0x16: {  	s3 =	sld [smem:$0x3FDB];
	s0 =	simm.s32 @p2 $0x1  }
0x17: {  	s4 =	simm.s32 $0x1BF5;
	[smem:$0x3FB2] =	sst s0  }
0x18: {  	s0 =	sld [smem:$0x3F95];
	_ =	swait.ge [sflag:s4], $0x0  }
0x19: {  	s7 =	sld [smem:$0x3F96]  }
0x1a: {  	s8 =	sadd.s32 $0xFFFFE003, lr  }
0x1b: {  	s9 =	sadd.s32 $0xFFFFFEF7, lr;
	s5 =	simm.s32 $0xFFFFFFFF;
	p2 =	slt.u32 s8, $0xFFFFF086  }
0x1c: {  	p1 =	slt.u32 s9, $0xF7A;
	s5 =	simm.s32 @!p2 $0x0  }
0x1d: {  	s5 =	simm.s32 @p1 $0x1;
	p0 =	seq.s32 s7, s2  }
0x1e: {  	s7 =	smul.u32 @!p0 $0xF7A, s2;
	p2 =	seq.s32 @!p0 s5, $0x0  }
0x1f: {  	s9 =	smul.u32 $0xF7A, s1;
	s8 =	simm.s32 @!p0 $0x1BF5;
	p2 =	por !p2, p0  }
0x20: {  	[sflag:s8] =	ssyncset.s32 @!p0 $0xFFFFF086;
	s6 =	sadd.s32 @!p0 s3, s7;
	s7 =	simm.s32 @!p0 $0x108  }
0x21: {  	s3 =	sadd.s32 s3, s9;
	s6 =	sadd.s32 @!p0 $0x88, s6;
	s7 =	simm.s32 @p2 $0x1082  }
0x22: {  	[simem:s7], [sflag:s8] =	dma.local @!p0 [hbm:s6], $0xF7A  }
0x23: {  	s9 =	sor.u32 $0xD0000000, s2;
	s6 =	simm.s32 $0x108;
	_ =	swait.ge @!p0 [sflag:s8], $0x0  }
0x24: {  	s3 =	sadd.s32 $0x88, s3;
	s6 =	simm.s32 @!p1 $0x1082;
	[sflag:s4] =	ssyncset.s32 $0xFFFFF086  }
0x25: {  	[simem:s6], [sflag:s4] =	dma.local [hbm:s3], $0xF7A  }
0x26: {  	[smem:$0x3F96] =	sst s1;
	(tag) =	ssettag s2;
	_ =	strace s9  }
0x27: {  	s1 =	sld [smem:$0x3FA6]  }
0x28: {  	s2 =	sld [smem:$0x3FA7]  }
0x29: {  	s4 =	sld [smem:$0x3FA9]  }
0x2a: {  	p0 =	seq.s32 s5, $0x0;
	s5 =	sld [smem:$0x3FAA]  }
0x2b: {  	s6 =	sld [smem:$0x3FAB]  }
0x2c: {  	s7 =	sld [smem:$0x3FAC]  }
0x2d: {  	s3 =	simm.s32 $0x108;
	s8 =	sld [smem:$0x3FAD]  }
0x2e: {  	s3 =	simm.s32 @!p0 $0x1082;
	s9 =	sld [smem:$0x3FAE]  }
0x2f: {  	lr =	sadd.s32 s0, s3;
	s0 =	sld [smem:$0x3FA5]  }
0x30: {  	s3 =	sld [smem:$0x3FA8]  }
0x31: {  	[smem:$0x3FB1] =	sst s10  }
0x32: {  	s10 =	sld [smem:$0x3FAF];
	_ =	sdelay $0x3  }
0x33: {  	p0 =	seq.s32 s10, $0x1;
	s10 =	sld [smem:$0x3FB1];
	_ =	sdelay $0x3  }
0x34: {  	[smem:$0x3FB1] =	sst s10  }
0x35: {  	s10 =	sld [smem:$0x3FB0];
	_ =	sdelay $0x3  }
0x36: {  	p1 =	seq.s32 s10, $0x1;
	s10 =	sld [smem:$0x3FB1];
	_ =	sdelay $0x3  }
0x37: {  	[smem:$0x3FB1] =	sst s10  }
0x38: {  	s10 =	sld [smem:$0x3FB2]  }
0x39: {  	_ = 	snop;
	(pc) =	sbr.ind lr, $3  }
0x3a: {  	_ = 	snop  }
0x3b: {  	_ = 	snop  }
0x3c: {  	p2 =	seq.s32 s10, $0x1;
	s10 =	sld [smem:$0x3FB1]  }
0x3d: {  	_ =	shalt  }
0x3e: {  	_ =	shalt  }
0x3f: {  	_ =	shalt  }
0x40: {  	_ =	shalt  }
0x41: {  	_ =	shalt  }
0x42: {  	_ =	shalt  }
0x43: {  	_ =	shalt  }
0x44: {  	_ =	shalt  }
0x45: {  	_ =	shalt  }
0x46: {  	_ =	shalt  }
0x47: {  	_ =	shalt  }
0x48: {  	_ =	shalt  }
0x49: {  	_ =	shalt  }
0x4a: {  	_ =	shalt  }
0x4b: {  	_ =	shalt  }
0x4c: {  	_ =	shalt  }
0x4d: {  	_ =	shalt  }
0x4e: {  	_ =	shalt  }
0x4f: {  	_ =	shalt  }
0x50: {  	_ =	shalt  }
0x51: {  	_ =	shalt  }
0x52: {  	_ =	shalt  }
0x53: {  	_ =	shalt  }
0x54: {  	_ =	shalt  }
0x55: {  	_ =	shalt  }
0x56: {  	_ =	shalt  }
0x57: {  	_ =	shalt  }
0x58: {  	_ =	shalt  }
0x59: {  	_ =	shalt  }
0x5a: {  	_ =	shalt  }
0x5b: {  	_ =	shalt  }
0x5c: {  	_ =	shalt  }
0x5d: {  	_ =	shalt  }
0x5e: {  	_ =	shalt  }
0x5f: {  	_ =	shalt  }
0x60: {  	_ =	shalt  }
0x61: {  	_ =	shalt  }
0x62: {  	_ =	shalt  }
0x63: {  	_ =	shalt  }
0x64: {  	_ =	shalt  }
0x65: {  	_ =	shalt  }
0x66: {  	_ =	shalt  }
0x67: {  	_ =	shalt  }
0x68: {  	_ =	shalt  }
0x69: {  	_ =	shalt  }
0x6a: {  	_ =	shalt  }
0x6b: {  	_ =	shalt  }
0x6c: {  	_ =	shalt  }
0x6d: {  	_ =	shalt  }
0x6e: {  	_ =	shalt  }
0x6f: {  	_ =	shalt  }
0x70: {  	_ =	shalt  }
0x71: {  	_ =	shalt  }
0x72: {  	_ =	shalt  }
0x73: {  	_ =	shalt  }
0x74: {  	_ =	shalt  }
0x75: {  	_ =	shalt  }
0x76: {  	_ =	shalt  }
0x77: {  	_ =	shalt  }
0x78: {  	_ =	shalt  }
0x79: {  	_ =	shalt  }
0x7a: {  	_ =	shalt  }
0x7b: {  	_ =	shalt  }
0x7c: {  	_ =	shalt  }
0x7d: {  	_ =	shalt  }
0x7e: {  	_ =	shalt  }
0x7f: {  	_ =	shalt  }
0x80: {  	_ =	shalt  }
0x81: {  	_ =	shalt  }
0x82: {  	_ =	shalt  }
0x83: {  	_ =	shalt  }
0x84: {  	_ =	shalt  }
0x85: {  	_ =	shalt  }
0x86: {  	_ =	shalt  }
0x87: {  	_ =	shalt  }
.Lfunc_end0:
.L_simem_size_0:
called_computation.3_lowered:
.L_overlay_start_0:
0x88: {  	s2 =	sld [smem:$0x3FD9]  }
0x89: {  	s3 =	sld [smem:$0x3FFE];
	_ =	sdelay $0x1  }
0x8a: {  	s1 =	srdreg.scid  }
0x8b: {  	s0 =	sand.u32 $0x1, s1  }
0x8c: {  	s16 =	sshll.u32 s0, $0xA;
	s2 =	sadd.s32 s3, s2  }
0x8d: {  	s2 =	sadd.s32 s2, s16  }
0x8e: {  	[smem:$0x3FBD] =	sst s2  }
0x8f: {  	_ = 	snop  }
0x90: {  	(tm) =	ssettm $0x1  }
0x91: {  	s17 =	sld [smem:$0x3FFB];
	_ =	sdelay $0x3  }
0x92: {  	_ =	strace s17  }
0x93: {  	s2 =	sld [smem:$0x3FFC];
	_ =	sdelay $0x3  }
0x94: {  	_ =	strace s2  }
0x95: {  	s2 =	sld [smem:$0x3FFD];
	_ =	sdelay $0x3  }
0x96: {  	_ =	strace s2  }
0x97: {  	_ =	strace $0x8FFFFFFF  }
0x98: {  	s18 =	sld [smem:$0x3FDB];
	_ =	sdelay $0x1  }
0x99: {  	s19 =	simm.s32 $_scs_section_size  }
0x9a: {  	s4 =	simm.s32 $_size__tile_overlayer_lowered;
	s5 =	simm.s32 $_tile_overlayer_lowered  }
0x9b: {  	s22 =	simm.s32 $0x1BFF;
	s21 =	sshll.u32 s5, $0x1;
	s2 =	sadd.s32 s19, s18  }
0x9c: {  	s6 =	simm.s32 $0x0;
	s20 =	sshll.u32 s4, $0x1;
	s4 =	sadd.s32 s21, s2  }
0x9d: {  	[timem:s6], [sflag:s22] =	dma.local [hbm:s4], s20  }
0x9e: {  	_ =	swait.ge [sflag:s22], s20  }
0x9f: {  	s3 =	ssub.s32 $0x0, s20;
	[sflag:s22] =	ssyncset.done $0x0  }
0xa0: {  	[sflag:s22] =	ssyncadd.s32 s3;
	_ =	sdelay $0x1  }
0xa1: {  	s23 =	simm.s32 $0x1B8B  }
0xa2: {  	_ =	swait.ge [sflag:s23], $0x1  }
0xa3: {  	[sflag:s23] =	ssyncset.done $0x0  }
0xa4: {  	s25 =	simm.s32 $0x1B8E;
	s24 =	sld [smem:$0x3FFE];
	[sflag:s23] =	ssyncadd.s32 $0xFFFFFFFF  }
0xa5: {  	s26 =	simm.s32 $execute0_lowered;
	[smem:$0x3FD2] =	sst s25  }
0xa6: {  	s4 =	sshll.u32 s26, $0x1;
	_ =	strace $0x8000004F;
	[dreg:$0x1] =	wrdreg $0xFFFFFFFF  }
0xa7: {  	s28 =	simm.s32 $_size_execute0_lowered;
	s2 =	sadd.s32 s2, s4;
	[dreg:$0x0] =	wrdreg $0x0  }
0xa8: {  	s4 =	sshll.u32 s28, $0x1;
	[dreg:$0x2] =	wrdreg s2  }
0xa9: {  	[dreg:$0x3] =	wrdreg s4  }
0xaa: {  	[dreg:$0x4] =	wrdreg $0xC0  }
0xab: {  	_ =	task [dreg:s6], $0x5FFFF  }
0xac: {  	[dreg:$0x1] =	wrdreg $0xFFFFFFFF  }
0xad: {  	[dreg:$0x0] =	wrdreg $0x60  }
0xae: {  	[dreg:$0x2] =	wrdreg s24  }
0xaf: {  	[dreg:$0x3] =	wrdreg $0xB7800  }
0xb0: {  	[dreg:$0x4] =	wrdreg $0x9  }
0xb1: {  	_ =	task.clear_ibuf [dreg:s6], $0x5FFFF;
	_ =	strace $0x9000004F  }
0xb2: {  	s29 =	simm.s32 $0x9;
	_ =	strace $0x80000051  }
0xb3: {  	_ =	swait.ge [sflag:s29], $0x1  }
0xb4: {  	[sflag:s29] =	ssyncadd.s32 $0xFFFFFFFF  }
0xb5: {  	_ =	strace $0x90000051  }
0xb6: {  	_ =	sfence  }
0xb7: {  	s30 =	sld [smem:$0x0];
	_ =	sdelay $0x2  }
0xb8: {  	s31 =	sshll.u32 s1, $0xD;
	s1 =	sshrl.u32 s1, $0x2  }
0xb9: {  	s3 =	sand.u32 $0x4000, s31;
	s1 =	sadd.s32 s1, s30  }
0xba: {  	s0 =	sor.u32 s3, s0;
	s1 =	sshll.u32 s1, $0x11  }
0xbb: {  	s0 =	sor.u32 s1, s0  }
0xbc: {  	s0 =	sadd.s32 $0x8F2B, s0  }
0xbd: {  	[sflag:s0] =	ssyncadd.remote.s32 $0x1  }
0xbe: {  	_ =	sfence.sel $0xFFFF  }
0xbf: {  	[dreg:$0x0] =	wrdreg $0xFFFFFFFF;
	(pc) =	sbr.abs _section_cstart, $3  }
0xc0: {  	[dreg:$0x1] =	wrdreg $0xFFFFFFFF  }
0xc1: {  	_ =	task.clear_ibuf [dreg:s6], $0x2FFFF;
	_ =	strace $0x9FFFFFFF  }
0xc2: {  	(tm) =	ssettm $0x7FFFFFFF  }
0xc3: {  	_ =	shalt  }
tec
execute0_lowered:
.L_overlay_start_1:
0x0: {  	(tag) =	ssettag $0x1  }
0x1: {  	s0 =	srdreg.scid;
	s6 =	rddreg [dreg:$0x0]  }
0x2: {  	s2 =	rddreg [dreg:$0x1];
	s3 =	simm.s32 $0x0;
	s14 =	simm.s32 $0x400  }
0x3: {  	s15 =	simm.s32 $0x2780;
	s16 =	simm.s32 $0x50;
	s17 =	simm.s32 $0x6780  }
0x4: {  	s18 =	simm.s32 $0x1;
	s19 =	simm.s32 $0x8F80;
	s20 =	simm.s32 $0x2  }
0x5: {  	s21 =	simm.s32 $0x6580;
	s5 =	sand.u32 $0x1, s0;
	s0 =	stileid.u32  }
0x6: {  	s22 =	simm.s32 $0x0;
	[smem:$0x7FF] =	sst s3;
	s25 =	smul.u32 $0x13C00, s0  }
0x7: {  	s1 =	sshll.u32 s5, $0x4;
	s8 =	sshll.u32 s0, $0x7;
	s10 =	smul.u32 $0x13C000, s5  }
0x8: {  	s26 =	smul.u32 $0x4F000, s0;
	s5 =	ssub.s32 $0x2, s5;
	s31 =	sshll.u32 s0, $0x6  }
0x9: {  	s4 =	sor.u32 s0, s1;
	s1 =	rddreg [dreg:$0x2];
	s8 =	sand.u32 $0x380, s8  }
0xa: {  	_ =	strace $0x80000050;
	s28 =	sshrl.u32 s5, $0x1;
	s7 =	sshrl.u32 s4, $0x3  }
0xb: {  	s9 =	sshll.u32 s4, $0xB;
	s4 =	sadd.s32 $0x1F000, s6;
	s11 =	sshrl.u32 s25, $0x3  }
0xc: {  	s29 =	sshrl.u32 s26, $0x2;
	s30 =	ssub.s32 s5, s28;
	s7 =	smul.u32 $0x13C00, s7  }
0xd: {  	s9 =	sadd.s32 s9, s6;
	s11 =	sadd.s32 s11, s6;
	s13 =	sadd.s32 s29, s2  }
0xe: {  	s5 =	sadd.s32 $0x46200, s11;
	s11 =	sshrl.u32 s13, $0x3;
	s7 =	sor.u32 s8, s7  }
0xf: {  	s13 =	simm.s32 $0x80;
	s8 =	sadd.s32 s25, s10;
	s7 =	sshrl.u32 s7, $0x3  }
0x10: {  	s10 =	smax.u32 s30, $0x1;
	s8 =	sshrl.u32 s8, $0x3;
	s7 =	sadd.s32 s7, s6  }
0x11: {  	s12 =	sadd.s32 s8, s6;
	s6 =	sor.u32 $0x1C03, s31;
	s8 =	sadd.s32 $0x4200, s9  }
0x12: {  	s7 =	sadd.s32 $0x15200, s7;
	s9 =	sadd.s32 $0x6DA00, s12;
	s12 =	simm.s32 $0x3  }
.LBB2_1:
0x13: {  	[spmem:s11], [sflag:s6] =	dma.local [hbm:s5], $0x2780  }
0x14: {  	_ =	swait.ge [sflag:s12], $0x2780  }
0x15: {  	[sflag:s12] =	ssyncset.done $0x0  }
0x16: {  	[sflag:s12] =	ssyncadd.s32 $0xFFFFD880  }
0x17: {  	[tilespmem:s3], [sflag:$0x3] =	stream.strided.gather [hbm4b:s7+s13], $0x2780, s14, s13, $0x38;
	[tilespmem:$0x1F380] =	vst v63  }
0x18: {  	_ =	swait.ge [sflag:s12], $0x2780  }
0x19: {  	[sflag:s12] =	ssyncset.done $0x0  }
0x1a: {  	[sflag:s12] =	ssyncadd.s32 $0xFFFFD880  }
0x1b: {  	[tilespmem:s15], [sflag:$0x3] =	stream.linear.gather [hbm4b:s8+s3], $0x3E80, $0x38;
	[tilespmem:$0x1F380] =	vst v63  }
0x1c: {  	_ =	swait.ge [sflag:s12], $0x3E80  }
0x1d: {  	[sflag:s12] =	ssyncset.done $0x0  }
0x1e: {  	[sflag:s12] =	ssyncadd.s32 $0xFFFFC180  }
0x1f: {  	[bflag:$0x0] =	sbarrier.arrive $0xFFFF  }
0x20: {  	[tilespmem:s17], [sflag:$0x1] =	stream.indirect.gather [hbm4b:s4+s16], $0x80, s3, s16, $0xb8;
	[tilespmem:$0x1F380] =	vst v63  }
0x21: {  	_ =	swait.ge [sflag:s18], $0x2800  }
0x22: {  	[sflag:s18] =	ssyncset.done $0x0  }
0x23: {  	s23 =	simm.s32 $0x50;
	[sflag:s18] =	ssyncadd.s32 $0xFFFFD800  }
0x24: {  	[tilespmem:s19], [sflag:$0x2] =	stream.indirect.gather [hbm4b:s4+s16], $0x80, s23, s16, $0xb8;
	[tilespmem:$0x1F380] =	vst v63  }
0x25: {  	s31 =	simm.s32 $0x2780  }
0x26: {  	[spmem:s2] =	stream.indirect.scatter.add.f32 [tilespmem:s17], [sflag:$0x3], $0x80, s31, s16, $0xb8;
	[tilespmem:$0x1F380] =	vst v63  }
0x27: {  	_ =	swait.ge [sflag:s12], $0x2800  }
0x28: {  	[sflag:s12] =	ssyncset.done $0x0  }
0x29: {  	[sflag:s12] =	ssyncadd.s32 $0xFFFFD800  }
0x2a: {  	_ =	swait.ge [sflag:s20], $0x2800  }
0x2b: {  	[sflag:s20] =	ssyncset.done $0x0  }
0x2c: {  	s23 =	simm.s32 $0xA0;
	[sflag:s20] =	ssyncadd.s32 $0xFFFFD800  }
0x2d: {  	[tilespmem:s17], [sflag:$0x1] =	stream.indirect.gather [hbm4b:s4+s16], $0x80, s23, s16, $0xb8;
	[tilespmem:$0x1F380] =	vst v63  }
0x2e: {  	s24 =	simm.s32 $0x2800  }
0x2f: {  	[spmem:s2] =	stream.indirect.scatter.add.f32 [tilespmem:s19], [sflag:$0x3], $0x80, s24, s16, $0xb8;
	[tilespmem:$0x1F380] =	vst v63  }
0x30: {  	_ =	swait.ge [sflag:s12], $0x2800  }
0x31: {  	s24 =	simm.s32 $0x400;
	[sflag:s12] =	ssyncset.done $0x0  }
.LBB2_2:
0x32: {  	p0 =	sne.s32 s24, $0xF400;
	[sflag:s12] =	ssyncadd.s32 $0xFFFFD800;
	s23 =	sadd.s32 $0xA0, s23  }
0x33: {  	s25 =	smov.u32 s24;
	s24 =	sadd.s32 $0x400, s24  }
0x34: {  	_ =	swait.ge [sflag:s18], $0x2800  }
0x35: {  	[sflag:s18] =	ssyncset.done $0x0  }
0x36: {  	s26 =	sadd.s32 $0xFFFFFFB0, s23;
	s25 =	sshra.s32 s25, $0x2;
	[sflag:s18] =	ssyncadd.s32 $0xFFFFD800  }
0x37: {  	[tilespmem:s19], [sflag:$0x2] =	stream.indirect.gather [hbm4b:s4+s16], $0x80, s26, s16, $0xb8;
	[tilespmem:$0x1F380] =	vst v63  }
0x38: {  	s26 =	sadd.s32 $0x2780, s25  }
0x39: {  	[spmem:s2] =	stream.indirect.scatter.add.f32 [tilespmem:s17], [sflag:$0x3], $0x80, s26, s16, $0xb8;
	[tilespmem:$0x1F380] =	vst v63  }
0x3a: {  	_ =	swait.ge [sflag:s12], $0x2800  }
0x3b: {  	[sflag:s12] =	ssyncset.done $0x0  }
0x3c: {  	[sflag:s12] =	ssyncadd.s32 $0xFFFFD800  }
0x3d: {  	_ =	swait.ge [sflag:s20], $0x2800  }
0x3e: {  	[sflag:s20] =	ssyncset.done $0x0  }
0x3f: {  	[sflag:s20] =	ssyncadd.s32 $0xFFFFD800  }
0x40: {  	[tilespmem:s17], [sflag:$0x1] =	stream.indirect.gather [hbm4b:s4+s16], $0x80, s23, s16, $0xb8;
	[tilespmem:$0x1F380] =	vst v63  }
.Ltmp0:
0x41: {  	_ = 	snop;
	(pc) =	sbr.rel @p0 .LBB2_2-.Ltmp0, $4  }
0x42: {  	s25 =	sadd.s32 $0x2800, s25  }
0x43: {  	[spmem:s2] =	stream.indirect.scatter.add.f32 [tilespmem:s19], [sflag:$0x3], $0x80, s25, s16, $0xb8;
	[tilespmem:$0x1F380] =	vst v63  }
0x44: {  	_ =	swait.ge [sflag:s12], $0x2800  }
0x45: {  	[sflag:s12] =	ssyncset.done $0x0  }
0x46: {  	[sflag:s12] =	ssyncadd.s32 $0xFFFFD800  }
0x47: {  	_ =	swait.ge [sflag:s18], $0x2800  }
0x48: {  	[sflag:s18] =	ssyncset.done $0x0  }
0x49: {  	[sflag:s18] =	ssyncadd.s32 $0xFFFFD800  }
0x4a: {  	[spmem:s2] =	stream.indirect.scatter.add.f32 [tilespmem:s17], [sflag:$0x3], $0x80, s21, s16, $0xb8;
	[tilespmem:$0x1F380] =	vst v63  }
0x4b: {  	_ =	swait.ge [sflag:s12], $0x2800  }
0x4c: {  	s22 =	sadd.s32 $0x1, s22;
	[sflag:s12] =	ssyncset.done $0x0  }
0x4d: {  	p0 =	sne.s32 s22, s10;
	[sflag:s12] =	ssyncadd.s32 $0xFFFFD800  }
.Ltmp1:
0x4e: {  	[bflag:$0x0] =	sbarrier.arrive $0xFFFF;
	(pc) =	sbr.rel @p0 .LBB2_1-.Ltmp1, $4  }
0x4f: {  	[hbm:s9], [sflag:s6] =	dma.local [spmem:s11], $0x2780  }
0x50: {  	_ =	swait.ge [sflag:s12], $0x2780  }
0x51: {  	[sflag:s12] =	ssyncset.done $0x0  }
0x52: {  	[sflag:s12] =	ssyncadd.s32 $0xFFFFD880  }
0x53: {  	_ =	sfence.sel $0x180000  }
0x54: {  	[bflag:$0x0] =	sbarrier.arrive $0xFFFF  }
0x55: {  	p0 =	sne.s32 s0, $0x0;
	_ =	strace $0x90000050  }
0x56: {  	s0 =	sadd.s32 @!p0 $0x100000, s1;
	[bflag:$0x2] =	sbarrier.arrive $0xFFFF  }
0x57: {  	[sflag:s0] =	ssyncadd.tile.s32 @!p0 $0x1;
	_ =	shalt  }
.Lfunc_end2:
_tile_overlayer_lowered:
.L_overlay_start_2:
0x58: {  	(tag) =	ssettag $0x2  }
0x59: {  	s0 =	rddreg [dreg:$0x0];
	s2 =	stileid.u32  }
0x5a: {  	s1 =	rddreg [dreg:$0x1];
	p0 =	sne.s32 s2, $0x0  }
0x5b: {  	s3 =	rddreg [dreg:$0x2];
	[bflag:$0x3] =	sbarrier.arrive $0xFFFF;
	s2 =	simm.s32 @!p0 $0x1C03  }
0x5c: {  	[timem:s3], [sflag:s2] =	dma.local @!p0 [hbm:s0], s1  }
0x5d: {  	s0 =	simm.s32 @!p0 $0x3  }
0x5e: {  	_ =	swait.ge @!p0 [sflag:s0], s1  }
0x5f: {  	s1 =	ssub.s32 @!p0 $0x0, s1;
	[sflag:s0] =	ssyncset.done @!p0 $0x0  }
0x60: {  	[sflag:s0] =	ssyncadd.s32 @!p0 s1  }
0x61: {  	[bflag:$0x3] =	sbarrier.arrive $0xFFFF  }
0x62: {  	_ =	shalt  }

</sc_bundles>
